<compile_context>
chip_gen: v7x
topology: tpu7x:2x2x1
jax: 0.10.2.dev20260603
libtpu: 0.0.44.dev20260713+nightly
codegen_flags: <defaults>
</compile_context>

<pallas_src>
import jax
import jax.numpy as jnp
from jax import lax
from jax.experimental import pallas as pl
from jax.experimental.pallas import tpu as pltpu
from jax.experimental.pallas import tpu_sc as plsc

_EMB = 1000000
_DIM = 32
_BATCH = 16384

_NC = 2
_NS = 16
_NW = _NC * _NS
_BPW = _BATCH // _NW
_GRP = 16
_LAST_TILE = (_EMB // 128) * 128
_TAIL = _EMB - _LAST_TILE


def _gather_kernel(idx_hbm, wt_hbm, out_hbm, idx_v, buf_v, col_v, sem):
    wid = lax.axis_index("s") * _NC + lax.axis_index("c")
    base = wid * _BPW
    pltpu.sync_copy(idx_hbm.at[pl.ds(base, _BPW)], idx_v)

    c_lo = lax.iota(jnp.int32, 16)
    c_hi = c_lo + 16

    def body(k, _):
        rv = idx_v[pl.ds(k * _GRP, _GRP)]
        for i in range(_GRP):
            r = rv[i]
            rb = pl.multiple_of((r >> 7) << 7, 128)
            pltpu.async_copy(
                wt_hbm.at[:, pl.ds(rb, 128)],
                buf_v.at[:, pl.ds(i * 128, 128)],
                sem,
            )

        pltpu.make_async_copy(
            wt_hbm.at[:, pl.ds(0, _GRP * 128)], buf_v, sem
        ).wait()

        for i in range(_GRP):
            r = rv[i]
            rr = i * 128 + (r & 127)
            rr_v = jnp.full((16,), rr, jnp.int32)
            j_v = jnp.full((16,), k * _GRP + i, jnp.int32)
            v0 = plsc.load_gather(buf_v, [c_lo, rr_v])
            v1 = plsc.load_gather(buf_v, [c_hi, rr_v])
            plsc.store_scatter(col_v, [c_lo, j_v], v0)
            plsc.store_scatter(col_v, [c_hi, j_v], v1)
        return 0

    lax.fori_loop(0, _BPW // _GRP, body, 0)
    pltpu.sync_copy(col_v, out_hbm.at[:, pl.ds(base, _BPW)])


@jax.jit
def _gather(idx, w_t):
    mesh = plsc.VectorSubcoreMesh(core_axis_name="c", subcore_axis_name="s")
    return pl.kernel(
        _gather_kernel,
        mesh=mesh,
        out_type=jax.ShapeDtypeStruct((_DIM, _BATCH), jnp.float32),
        scratch_types=[
            pltpu.VMEM((_BPW,), jnp.int32),
            pltpu.VMEM((_DIM, _GRP * 128), jnp.float32),
            pltpu.VMEM((_DIM, _BPW), jnp.float32),
            pltpu.SemaphoreType.DMA,
        ],
        compiler_params=pltpu.CompilerParams(needs_layout_passes=False),
    )(idx, w_t)


def kernel(input, weight):
    out_t = _gather(input.astype(jnp.int32), weight.T)
    return out_t.T

# --- scband reference (transcript-rebuilt; emitter-appended) ---
"""Pipeline reference for scband-hash-embedding-layer-31705448579965 (READ-ONLY COPY).

The authoritative reference and input builder live on the scoring server;
editing this copy changes nothing except your own understanding.
"""

import jax, jax.numpy as jnp
import numpy as np

EMB_SIZE = 1000000
DIM = 32
BATCH = 16384

def setup_inputs(seed: int = 0) -> dict:
    key = jax.random.key(seed)
    k_idx, k_w = jax.random.split(key)
    input = jax.random.randint(k_idx, (BATCH,), 0, EMB_SIZE, dtype=jnp.int64)
    # Learned parameter: the hash embedding table (dense materialization of
    # the PS-backed sparse weight of shape [emb_size, dim]).
    weight = jax.random.normal(k_w, (EMB_SIZE, DIM), dtype=jnp.float32) * 0.01
    return {"input": input, "weight": weight}

def reference(input, weight):
    # HashEmbeddingLayer.forward: ps_client.get_tensor_from_dic gathers rows of
    # the [emb_size, dim] table at the given indices; HashEmbeddingFunc1 passes
    # the gathered dense rows through unchanged.
    selected_dense = jnp.take(weight, input, axis=0)
    return selected_dense

if __name__ == "__main__":
    import jax
    _d = setup_inputs()
    print(jax.jit(kernel)(*tuple(_d.values())))

</pallas_src>

<mosaic_0001>
#map = affine_map<(d0, d1) -> (0)>
#map1 = affine_map<(d0, d1) -> (0, 0)>
module attributes {stable_mosaic.version = 14 : i64} {
  func.func @_gather_kernel(%arg0: i32, %arg1: i32, %arg2: memref<16384xi32, #tpu.memory_space<hbm>>, %arg3: memref<32x1000000xf32, #tpu.memory_space<hbm>>, %arg4: memref<32x16384xf32, #tpu.memory_space<hbm>>, %arg5: memref<512xi32, #tpu.memory_space<vmem>>, %arg6: memref<32x2048xf32, #tpu.memory_space<vmem>>, %arg7: memref<32x512xf32, #tpu.memory_space<vmem>>, %arg8: memref<!tpu.dma_semaphore, #tpu.memory_space<semaphore_mem>>) attributes {dimension_semantics = [#tpu.dimension_semantics<core_parallel>, #tpu.dimension_semantics<subcore_parallel>], iteration_bounds = array<i64: 2, 16>, scalar_prefetch = 0 : i64, scratch_operands = 4 : i64, tpu.core_type = #tpu.core_type<sc_vector_subcore>, window_params = [{transform_indices = #map}, {transform_indices = #map1}, {transform_indices = #map1}]} {
    %mul3A = arith.constant 2 : i32
    %mul3A_0 = arith.muli %arg1, %mul3A : i32
    %add3A = arith.addi %mul3A_0, %arg0 : i32
    %mul3A_1 = arith.constant 512 : i32
    %mul3A_2 = arith.muli %add3A, %mul3A_1 : i32
    "tpu.region"() ({
      %run_scoped3A = tpu.sem_alloc : memref<!tpu.dma_semaphore, #tpu.memory_space<semaphore_mem>>
      %dma_start3A = tpu.memref_slice %arg2[%mul3A_2] : memref<16384xi32, #tpu.memory_space<hbm>> -> memref<512xi32, #tpu.memory_space<hbm>>
      %dma_start3A_12 = tpu.memref_slice %arg2[%mul3A_2] : memref<16384xi32, #tpu.memory_space<hbm>> -> memref<512xi32, #tpu.memory_space<hbm>>
      tpu.enqueue_dma source(%dma_start3A_12 : memref<512xi32, #tpu.memory_space<hbm>>) target(%arg5 : memref<512xi32, #tpu.memory_space<vmem>>) target_semaphore(%run_scoped3A : memref<!tpu.dma_semaphore, #tpu.memory_space<semaphore_mem>>)
      %dma_wait3A = tpu.memref_slice %arg2[%mul3A_2] : memref<16384xi32, #tpu.memory_space<hbm>> -> memref<512xi32, #tpu.memory_space<hbm>>
      %dma_wait3A_13 = tpu.memref_slice %arg2[%mul3A_2] : memref<16384xi32, #tpu.memory_space<hbm>> -> memref<512xi32, #tpu.memory_space<hbm>>
      tpu.wait_dma2 semaphore(%run_scoped3A : memref<!tpu.dma_semaphore, #tpu.memory_space<semaphore_mem>>) src(%dma_wait3A_13 : memref<512xi32, #tpu.memory_space<hbm>>) dst(%arg5 : memref<512xi32, #tpu.memory_space<vmem>>)
      tpu.yield
    }) : () -> ()
    %iota3A = tpu.iota {dimensions = array<i32: 0>} : vector<16xi32>
    %add3A_3 = arith.constant 16 : i32
    %add3A_4 = vector.broadcast %add3A_3 : i32 to vector<16xi32>
    %add3A_5 = arith.addi %iota3A, %add3A_4 : vector<16xi32>
    %scan3A = arith.constant 0 : i32
    %scan3A_6 = arith.constant 0 : i32
    %scan3A_7 = arith.constant 32 : i32
    %scan3A_8 = arith.addi %scan3A_6, %scan3A_7 : i32
    %scan3A_9 = arith.constant 1 : i32
    %scan3A_10 = scf.for %scan3A_12 = %scan3A_6 to %scan3A_8 step %scan3A_9 iter_args(%scan3A_13 = %scan3A) -> (i32)  : i32 {
      %mul3A_14 = arith.constant 16 : i32
      %mul3A_15 = arith.muli %scan3A_12, %mul3A_14 : i32
      %get3A = arith.index_cast %mul3A_15 : i32 to index
      %get3A_16 = tpu.vector_load %arg5[%get3A] {strides = array<i32>} : memref<512xi32, #tpu.memory_space<vmem>>, vector<16xi32>,
      %slice3A = vector.extract_strided_slice %get3A_16 {offsets = [0], sizes = [1], strides = [1]} : vector<16xi32> to vector<1xi32>
      %squeeze3A = vector.extract %slice3A[0] : i32 from vector<1xi32>
      %shift_right_arithmetic3A = arith.constant 7 : i32
      %shift_right_arithmetic3A_17 = arith.shrsi %squeeze3A, %shift_right_arithmetic3A : i32
      %shift_left3A = arith.constant 7 : i32
      %shift_left3A_18 = arith.shli %shift_right_arithmetic3A_17, %shift_left3A : i32
      %multiple_of3A = tpu.assume_multiple %shift_left3A_18, 128 : i32
      %dma_start3A = arith.constant 0 : i32
      %dma_start3A_19 = arith.constant 0 : i32
      %dma_start3A_20 = tpu.memref_slice %arg6[%dma_start3A, %dma_start3A_19] : memref<32x2048xf32, #tpu.memory_space<vmem>> -> memref<32x128xf32, #tpu.memory_space<vmem>>
      %dma_start3A_21 = arith.constant 0 : i32
      %dma_start3A_22 = tpu.memref_slice %arg3[%dma_start3A_21, %multiple_of3A] : memref<32x1000000xf32, #tpu.memory_space<hbm>> -> memref<32x128xf32, #tpu.memory_space<hbm>>
      %dma_start3A_23 = arith.constant 0 : i32
      %dma_start3A_24 = arith.constant 0 : i32
      %dma_start3A_25 = tpu.memref_slice %arg6[%dma_start3A_23, %dma_start3A_24] : memref<32x2048xf32, #tpu.memory_space<vmem>> -> memref<32x128xf32, #tpu.memory_space<vmem>>
      %dma_start3A_26 = arith.constant 0 : i32
      %dma_start3A_27 = tpu.memref_slice %arg3[%dma_start3A_26, %multiple_of3A] : memref<32x1000000xf32, #tpu.memory_space<hbm>> -> memref<32x128xf32, #tpu.memory_space<hbm>>
      tpu.enqueue_dma source(%dma_start3A_27 : memref<32x128xf32, #tpu.memory_space<hbm>>) target(%dma_start3A_25 : memref<32x128xf32, #tpu.memory_space<vmem>>) target_semaphore(%arg8 : memref<!tpu.dma_semaphore, #tpu.memory_space<semaphore_mem>>)
      %slice3A_28 = vector.extract_strided_slice %get3A_16 {offsets = [1], sizes = [1], strides = [1]} : vector<16xi32> to vector<1xi32>
      %squeeze3A_29 = vector.extract %slice3A_28[0] : i32 from vector<1xi32>
      %shift_right_arithmetic3A_30 = arith.constant 7 : i32
      %shift_right_arithmetic3A_31 = arith.shrsi %squeeze3A_29, %shift_right_arithmetic3A_30 : i32
      %shift_left3A_32 = arith.constant 7 : i32
      %shift_left3A_33 = arith.shli %shift_right_arithmetic3A_31, %shift_left3A_32 : i32
      %multiple_of3A_34 = tpu.assume_multiple %shift_left3A_33, 128 : i32
      %dma_start3A_35 = arith.constant 0 : i32
      %dma_start3A_36 = arith.constant 128 : i32
      %dma_start3A_37 = tpu.memref_slice %arg6[%dma_start3A_35, %dma_start3A_36] : memref<32x2048xf32, #tpu.memory_space<vmem>> -> memref<32x128xf32, #tpu.memory_space<vmem>>
      %dma_start3A_38 = arith.constant 0 : i32
      %dma_start3A_39 = tpu.memref_slice %arg3[%dma_start3A_38, %multiple_of3A_34] : memref<32x1000000xf32, #tpu.memory_space<hbm>> -> memref<32x128xf32, #tpu.memory_space<hbm>>
      %dma_start3A_40 = arith.constant 0 : i32
      %dma_start3A_41 = arith.constant 128 : i32
      %dma_start3A_42 = tpu.memref_slice %arg6[%dma_start3A_40, %dma_start3A_41] : memref<32x2048xf32, #tpu.memory_space<vmem>> -> memref<32x128xf32, #tpu.memory_space<vmem>>
      %dma_start3A_43 = arith.constant 0 : i32
      %dma_start3A_44 = tpu.memref_slice %arg3[%dma_start3A_43, %multiple_of3A_34] : memref<32x1000000xf32, #tpu.memory_space<hbm>> -> memref<32x128xf32, #tpu.memory_space<hbm>>
      tpu.enqueue_dma source(%dma_start3A_44 : memref<32x128xf32, #tpu.memory_space<hbm>>) target(%dma_start3A_42 : memref<32x128xf32, #tpu.memory_space<vmem>>) target_semaphore(%arg8 : memref<!tpu.dma_semaphore, #tpu.memory_space<semaphore_mem>>)
      %slice3A_45 = vector.extract_strided_slice %get3A_16 {offsets = [2], sizes = [1], strides = [1]} : vector<16xi32> to vector<1xi32>
      %squeeze3A_46 = vector.extract %slice3A_45[0] : i32 from vector<1xi32>
      %shift_right_arithmetic3A_47 = arith.constant 7 : i32
      %shift_right_arithmetic3A_48 = arith.shrsi %squeeze3A_46, %shift_right_arithmetic3A_47 : i32
      %shift_left3A_49 = arith.constant 7 : i32
      %shift_left3A_50 = arith.shli %shift_right_arithmetic3A_48, %shift_left3A_49 : i32
      %multiple_of3A_51 = tpu.assume_multiple %shift_left3A_50, 128 : i32
      %dma_start3A_52 = arith.constant 0 : i32
      %dma_start3A_53 = arith.constant 256 : i32
      %dma_start3A_54 = tpu.memref_slice %arg6[%dma_start3A_52, %dma_start3A_53] : memref<32x2048xf32, #tpu.memory_space<vmem>> -> memref<32x128xf32, #tpu.memory_space<vmem>>
      %dma_start3A_55 = arith.constant 0 : i32
      %dma_start3A_56 = tpu.memref_slice %arg3[%dma_start3A_55, %multiple_of3A_51] : memref<32x1000000xf32, #tpu.memory_space<hbm>> -> memref<32x128xf32, #tpu.memory_space<hbm>>
      %dma_start3A_57 = arith.constant 0 : i32
      %dma_start3A_58 = arith.constant 256 : i32
      %dma_start3A_59 = tpu.memref_slice %arg6[%dma_start3A_57, %dma_start3A_58] : memref<32x2048xf32, #tpu.memory_space<vmem>> -> memref<32x128xf32, #tpu.memory_space<vmem>>
      %dma_start3A_60 = arith.constant 0 : i32
      %dma_start3A_61 = tpu.memref_slice %arg3[%dma_start3A_60, %multiple_of3A_51] : memref<32x1000000xf32, #tpu.memory_space<hbm>> -> memref<32x128xf32, #tpu.memory_space<hbm>>
      tpu.enqueue_dma source(%dma_start3A_61 : memref<32x128xf32, #tpu.memory_space<hbm>>) target(%dma_start3A_59 : memref<32x128xf32, #tpu.memory_space<vmem>>) target_semaphore(%arg8 : memref<!tpu.dma_semaphore, #tpu.memory_space<semaphore_mem>>)
      %slice3A_62 = vector.extract_strided_slice %get3A_16 {offsets = [3], sizes = [1], strides = [1]} : vector<16xi32> to vector<1xi32>
      %squeeze3A_63 = vector.extract %slice3A_62[0] : i32 from vector<1xi32>
      %shift_right_arithmetic3A_64 = arith.constant 7 : i32
      %shift_right_arithmetic3A_65 = arith.shrsi %squeeze3A_63, %shift_right_arithmetic3A_64 : i32
      %shift_left3A_66 = arith.constant 7 : i32
      %shift_left3A_67 = arith.shli %shift_right_arithmetic3A_65, %shift_left3A_66 : i32
      %multiple_of3A_68 = tpu.assume_multiple %shift_left3A_67, 128 : i32
      %dma_start3A_69 = arith.constant 0 : i32
      %dma_start3A_70 = arith.constant 384 : i32
      %dma_start3A_71 = tpu.memref_slice %arg6[%dma_start3A_69, %dma_start3A_70] : memref<32x2048xf32, #tpu.memory_space<vmem>> -> memref<32x128xf32, #tpu.memory_space<vmem>>
      %dma_start3A_72 = arith.constant 0 : i32
      %dma_start3A_73 = tpu.memref_slice %arg3[%dma_start3A_72, %multiple_of3A_68] : memref<32x1000000xf32, #tpu.memory_space<hbm>> -> memref<32x128xf32, #tpu.memory_space<hbm>>
      %dma_start3A_74 = arith.constant 0 : i32
      %dma_start3A_75 = arith.constant 384 : i32
      %dma_start3A_76 = tpu.memref_slice %arg6[%dma_start3A_74, %dma_start3A_75] : memref<32x2048xf32, #tpu.memory_space<vmem>> -> memref<32x128xf32, #tpu.memory_space<vmem>>
      %dma_start3A_77 = arith.constant 0 : i32
      %dma_start3A_78 = tpu.memref_slice %arg3[%dma_start3A_77, %multiple_of3A_68] : memref<32x1000000xf32, #tpu.memory_space<hbm>> -> memref<32x128xf32, #tpu.memory_space<hbm>>
      tpu.enqueue_dma source(%dma_start3A_78 : memref<32x128xf32, #tpu.memory_space<hbm>>) target(%dma_start3A_76 : memref<32x128xf32, #tpu.memory_space<vmem>>) target_semaphore(%arg8 : memref<!tpu.dma_semaphore, #tpu.memory_space<semaphore_mem>>)
      %slice3A_79 = vector.extract_strided_slice %get3A_16 {offsets = [4], sizes = [1], strides = [1]} : vector<16xi32> to vector<1xi32>
      %squeeze3A_80 = vector.extract %slice3A_79[0] : i32 from vector<1xi32>
      %shift_right_arithmetic3A_81 = arith.constant 7 : i32
      %shift_right_arithmetic3A_82 = arith.shrsi %squeeze3A_80, %shift_right_arithmetic3A_81 : i32
      %shift_left3A_83 = arith.constant 7 : i32
      %shift_left3A_84 = arith.shli %shift_right_arithmetic3A_82, %shift_left3A_83 : i32
      %multiple_of3A_85 = tpu.assume_multiple %shift_left3A_84, 128 : i32
      %dma_start3A_86 = arith.constant 0 : i32
      %dma_start3A_87 = arith.constant 512 : i32
      %dma_start3A_88 = tpu.memref_slice %arg6[%dma_start3A_86, %dma_start3A_87] : memref<32x2048xf32, #tpu.memory_space<vmem>> -> memref<32x128xf32, #tpu.memory_space<vmem>>
      %dma_start3A_89 = arith.constant 0 : i32
      %dma_start3A_90 = tpu.memref_slice %arg3[%dma_start3A_89, %multiple_of3A_85] : memref<32x1000000xf32, #tpu.memory_space<hbm>> -> memref<32x128xf32, #tpu.memory_space<hbm>>
      %dma_start3A_91 = arith.constant 0 : i32
      %dma_start3A_92 = arith.constant 512 : i32
      %dma_start3A_93 = tpu.memref_slice %arg6[%dma_start3A_91, %dma_start3A_92] : memref<32x2048xf32, #tpu.memory_space<vmem>> -> memref<32x128xf32, #tpu.memory_space<vmem>>
      %dma_start3A_94 = arith.constant 0 : i32
      %dma_start3A_95 = tpu.memref_slice %arg3[%dma_start3A_94, %multiple_of3A_85] : memref<32x1000000xf32, #tpu.memory_space<hbm>> -> memref<32x128xf32, #tpu.memory_space<hbm>>
      tpu.enqueue_dma source(%dma_start3A_95 : memref<32x128xf32, #tpu.memory_space<hbm>>) target(%dma_start3A_93 : memref<32x128xf32, #tpu.memory_space<vmem>>) target_semaphore(%arg8 : memref<!tpu.dma_semaphore, #tpu.memory_space<semaphore_mem>>)
      %slice3A_96 = vector.extract_strided_slice %get3A_16 {offsets = [5], sizes = [1], strides = [1]} : vector<16xi32> to vector<1xi32>
      %squeeze3A_97 = vector.extract %slice3A_96[0] : i32 from vector<1xi32>
      %shift_right_arithmetic3A_98 = arith.constant 7 : i32
      %shift_right_arithmetic3A_99 = arith.shrsi %squeeze3A_97, %shift_right_arithmetic3A_98 : i32
      %shift_left3A_100 = arith.constant 7 : i32
      %shift_left3A_101 = arith.shli %shift_right_arithmetic3A_99, %shift_left3A_100 : i32
      %multiple_of3A_102 = tpu.assume_multiple %shift_left3A_101, 128 : i32
      %dma_start3A_103 = arith.constant 0 : i32
      %dma_start3A_104 = arith.constant 640 : i32
      %dma_start3A_105 = tpu.memref_slice %arg6[%dma_start3A_103, %dma_start3A_104] : memref<32x2048xf32, #tpu.memory_space<vmem>> -> memref<32x128xf32, #tpu.memory_space<vmem>>
      %dma_start3A_106 = arith.constant 0 : i32
      %dma_start3A_107 = tpu.memref_slice %arg3[%dma_start3A_106, %multiple_of3A_102] : memref<32x1000000xf32, #tpu.memory_space<hbm>> -> memref<32x128xf32, #tpu.memory_space<hbm>>
      %dma_start3A_108 = arith.constant 0 : i32
      %dma_start3A_109 = arith.constant 640 : i32
      %dma_start3A_110 = tpu.memref_slice %arg6[%dma_start3A_108, %dma_start3A_109] : memref<32x2048xf32, #tpu.memory_space<vmem>> -> memref<32x128xf32, #tpu.memory_space<vmem>>
      %dma_start3A_111 = arith.constant 0 : i32
      %dma_start3A_112 = tpu.memref_slice %arg3[%dma_start3A_111, %multiple_of3A_102] : memref<32x1000000xf32, #tpu.memory_space<hbm>> -> memref<32x128xf32, #tpu.memory_space<hbm>>
      tpu.enqueue_dma source(%dma_start3A_112 : memref<32x128xf32, #tpu.memory_space<hbm>>) target(%dma_start3A_110 : memref<32x128xf32, #tpu.memory_space<vmem>>) target_semaphore(%arg8 : memref<!tpu.dma_semaphore, #tpu.memory_space<semaphore_mem>>)
      %slice3A_113 = vector.extract_strided_slice %get3A_16 {offsets = [6], sizes = [1], strides = [1]} : vector<16xi32> to vector<1xi32>
      %squeeze3A_114 = vector.extract %slice3A_113[0] : i32 from vector<1xi32>
      %shift_right_arithmetic3A_115 = arith.constant 7 : i32
      %shift_right_arithmetic3A_116 = arith.shrsi %squeeze3A_114, %shift_right_arithmetic3A_115 : i32
      %shift_left3A_117 = arith.constant 7 : i32
      %shift_left3A_118 = arith.shli %shift_right_arithmetic3A_116, %shift_left3A_117 : i32
      %multiple_of3A_119 = tpu.assume_multiple %shift_left3A_118, 128 : i32
      %dma_start3A_120 = arith.constant 0 : i32
      %dma_start3A_121 = arith.constant 768 : i32
      %dma_start3A_122 = tpu.memref_slice %arg6[%dma_start3A_120, %dma_start3A_121] : memref<32x2048xf32, #tpu.memory_space<vmem>> -> memref<32x128xf32, #tpu.memory_space<vmem>>
      %dma_start3A_123 = arith.constant 0 : i32
      %dma_start3A_124 = tpu.memref_slice %arg3[%dma_start3A_123, %multiple_of3A_119] : memref<32x1000000xf32, #tpu.memory_space<hbm>> -> memref<32x128xf32, #tpu.memory_space<hbm>>
      %dma_start3A_125 = arith.constant 0 : i32
      %dma_start3A_126 = arith.constant 768 : i32
      %dma_start3A_127 = tpu.memref_slice %arg6[%dma_start3A_125, %dma_start3A_126] : memref<32x2048xf32, #tpu.memory_space<vmem>> -> memref<32x128xf32, #tpu.memory_space<vmem>>
      %dma_start3A_128 = arith.constant 0 : i32
      %dma_start3A_129 = tpu.memref_slice %arg3[%dma_start3A_128, %multiple_of3A_119] : memref<32x1000000xf32, #tpu.memory_space<hbm>> -> memref<32x128xf32, #tpu.memory_space<hbm>>
      tpu.enqueue_dma source(%dma_start3A_129 : memref<32x128xf32, #tpu.memory_space<hbm>>) target(%dma_start3A_127 : memref<32x128xf32, #tpu.memory_space<vmem>>) target_semaphore(%arg8 : memref<!tpu.dma_semaphore, #tpu.memory_space<semaphore_mem>>)
      %slice3A_130 = vector.extract_strided_slice %get3A_16 {offsets = [7], sizes = [1], strides = [1]} : vector<16xi32> to vector<1xi32>
      %squeeze3A_131 = vector.extract %slice3A_130[0] : i32 from vector<1xi32>
      %shift_right_arithmetic3A_132 = arith.constant 7 : i32
      %shift_right_arithmetic3A_133 = arith.shrsi %squeeze3A_131, %shift_right_arithmetic3A_132 : i32
      %shift_left3A_134 = arith.constant 7 : i32
      %shift_left3A_135 = arith.shli %shift_right_arithmetic3A_133, %shift_left3A_134 : i32
      %multiple_of3A_136 = tpu.assume_multiple %shift_left3A_135, 128 : i32
      %dma_start3A_137 = arith.constant 0 : i32
      %dma_start3A_138 = arith.constant 896 : i32
      %dma_start3A_139 = tpu.memref_slice %arg6[%dma_start3A_137, %dma_start3A_138] : memref<32x2048xf32, #tpu.memory_space<vmem>> -> memref<32x128xf32, #tpu.memory_space<vmem>>
      %dma_start3A_140 = arith.constant 0 : i32
      %dma_start3A_141 = tpu.memref_slice %arg3[%dma_start3A_140, %multiple_of3A_136] : memref<32x1000000xf32, #tpu.memory_space<hbm>> -> memref<32x128xf32, #tpu.memory_space<hbm>>
      %dma_start3A_142 = arith.constant 0 : i32
      %dma_start3A_143 = arith.constant 896 : i32
      %dma_start3A_144 = tpu.memref_slice %arg6[%dma_start3A_142, %dma_start3A_143] : memref<32x2048xf32, #tpu.memory_space<vmem>> -> memref<32x128xf32, #tpu.memory_space<vmem>>
      %dma_start3A_145 = arith.constant 0 : i32
      %dma_start3A_146 = tpu.memref_slice %arg3[%dma_start3A_145, %multiple_of3A_136] : memref<32x1000000xf32, #tpu.memory_space<hbm>> -> memref<32x128xf32, #tpu.memory_space<hbm>>
      tpu.enqueue_dma source(%dma_start3A_146 : memref<32x128xf32, #tpu.memory_space<hbm>>) target(%dma_start3A_144 : memref<32x128xf32, #tpu.memory_space<vmem>>) target_semaphore(%arg8 : memref<!tpu.dma_semaphore, #tpu.memory_space<semaphore_mem>>)
      %slice3A_147 = vector.extract_strided_slice %get3A_16 {offsets = [8], sizes = [1], strides = [1]} : vector<16xi32> to vector<1xi32>
      %squeeze3A_148 = vector.extract %slice3A_147[0] : i32 from vector<1xi32>
      %shift_right_arithmetic3A_149 = arith.constant 7 : i32
      %shift_right_arithmetic3A_150 = arith.shrsi %squeeze3A_148, %shift_right_arithmetic3A_149 : i32
      %shift_left3A_151 = arith.constant 7 : i32
      %shift_left3A_152 = arith.shli %shift_right_arithmetic3A_150, %shift_left3A_151 : i32
      %multiple_of3A_153 = tpu.assume_multiple %shift_left3A_152, 128 : i32
      %dma_start3A_154 = arith.constant 0 : i32
      %dma_start3A_155 = arith.constant 1024 : i32
      %dma_start3A_156 = tpu.memref_slice %arg6[%dma_start3A_154, %dma_start3A_155] : memref<32x2048xf32, #tpu.memory_space<vmem>> -> memref<32x128xf32, #tpu.memory_space<vmem>>
      %dma_start3A_157 = arith.constant 0 : i32
      %dma_start3A_158 = tpu.memref_slice %arg3[%dma_start3A_157, %multiple_of3A_153] : memref<32x1000000xf32, #tpu.memory_space<hbm>> -> memref<32x128xf32, #tpu.memory_space<hbm>>
      %dma_start3A_159 = arith.constant 0 : i32
      %dma_start3A_160 = arith.constant 1024 : i32
      %dma_start3A_161 = tpu.memref_slice %arg6[%dma_start3A_159, %dma_start3A_160] : memref<32x2048xf32, #tpu.memory_space<vmem>> -> memref<32x128xf32, #tpu.memory_space<vmem>>
      %dma_start3A_162 = arith.constant 0 : i32
      %dma_start3A_163 = tpu.memref_slice %arg3[%dma_start3A_162, %multiple_of3A_153] : memref<32x1000000xf32, #tpu.memory_space<hbm>> -> memref<32x128xf32, #tpu.memory_space<hbm>>
      tpu.enqueue_dma source(%dma_start3A_163 : memref<32x128xf32, #tpu.memory_space<hbm>>) target(%dma_start3A_161 : memref<32x128xf32, #tpu.memory_space<vmem>>) target_semaphore(%arg8 : memref<!tpu.dma_semaphore, #tpu.memory_space<semaphore_mem>>)
      %slice3A_164 = vector.extract_strided_slice %get3A_16 {offsets = [9], sizes = [1], strides = [1]} : vector<16xi32> to vector<1xi32>
      %squeeze3A_165 = vector.extract %slice3A_164[0] : i32 from vector<1xi32>
      %shift_right_arithmetic3A_166 = arith.constant 7 : i32
      %shift_right_arithmetic3A_167 = arith.shrsi %squeeze3A_165, %shift_right_arithmetic3A_166 : i32
      %shift_left3A_168 = arith.constant 7 : i32
      %shift_left3A_169 = arith.shli %shift_right_arithmetic3A_167, %shift_left3A_168 : i32
      %multiple_of3A_170 = tpu.assume_multiple %shift_left3A_169, 128 : i32
      %dma_start3A_171 = arith.constant 0 : i32
      %dma_start3A_172 = arith.constant 1152 : i32
      %dma_start3A_173 = tpu.memref_slice %arg6[%dma_start3A_171, %dma_start3A_172] : memref<32x2048xf32, #tpu.memory_space<vmem>> -> memref<32x128xf32, #tpu.memory_space<vmem>>
      %dma_start3A_174 = arith.constant 0 : i32
      %dma_start3A_175 = tpu.memref_slice %arg3[%dma_start3A_174, %multiple_of3A_170] : memref<32x1000000xf32, #tpu.memory_space<hbm>> -> memref<32x128xf32, #tpu.memory_space<hbm>>
      %dma_start3A_176 = arith.constant 0 : i32
      %dma_start3A_177 = arith.constant 1152 : i32
      %dma_start3A_178 = tpu.memref_slice %arg6[%dma_start3A_176, %dma_start3A_177] : memref<32x2048xf32, #tpu.memory_space<vmem>> -> memref<32x128xf32, #tpu.memory_space<vmem>>
      %dma_start3A_179 = arith.constant 0 : i32
      %dma_start3A_180 = tpu.memref_slice %arg3[%dma_start3A_179, %multiple_of3A_170] : memref<32x1000000xf32, #tpu.memory_space<hbm>> -> memref<32x128xf32, #tpu.memory_space<hbm>>
      tpu.enqueue_dma source(%dma_start3A_180 : memref<32x128xf32, #tpu.memory_space<hbm>>) target(%dma_start3A_178 : memref<32x128xf32, #tpu.memory_space<vmem>>) target_semaphore(%arg8 : memref<!tpu.dma_semaphore, #tpu.memory_space<semaphore_mem>>)
      %slice3A_181 = vector.extract_strided_slice %get3A_16 {offsets = [10], sizes = [1], strides = [1]} : vector<16xi32> to vector<1xi32>
      %squeeze3A_182 = vector.extract %slice3A_181[0] : i32 from vector<1xi32>
      %shift_right_arithmetic3A_183 = arith.constant 7 : i32
      %shift_right_arithmetic3A_184 = arith.shrsi %squeeze3A_182, %shift_right_arithmetic3A_183 : i32
      %shift_left3A_185 = arith.constant 7 : i32
      %shift_left3A_186 = arith.shli %shift_right_arithmetic3A_184, %shift_left3A_185 : i32
      %multiple_of3A_187 = tpu.assume_multiple %shift_left3A_186, 128 : i32
      %dma_start3A_188 = arith.constant 0 : i32
      %dma_start3A_189 = arith.constant 1280 : i32
      %dma_start3A_190 = tpu.memref_slice %arg6[%dma_start3A_188, %dma_start3A_189] : memref<32x2048xf32, #tpu.memory_space<vmem>> -> memref<32x128xf32, #tpu.memory_space<vmem>>
      %dma_start3A_191 = arith.constant 0 : i32
      %dma_start3A_192 = tpu.memref_slice %arg3[%dma_start3A_191, %multiple_of3A_187] : memref<32x1000000xf32, #tpu.memory_space<hbm>> -> memref<32x128xf32, #tpu.memory_space<hbm>>
      %dma_start3A_193 = arith.constant 0 : i32
      %dma_start3A_194 = arith.constant 1280 : i32
      %dma_start3A_195 = tpu.memref_slice %arg6[%dma_start3A_193, %dma_start3A_194] : memref<32x2048xf32, #tpu.memory_space<vmem>> -> memref<32x128xf32, #tpu.memory_space<vmem>>
      %dma_start3A_196 = arith.constant 0 : i32
      %dma_start3A_197 = tpu.memref_slice %arg3[%dma_start3A_196, %multiple_of3A_187] : memref<32x1000000xf32, #tpu.memory_space<hbm>> -> memref<32x128xf32, #tpu.memory_space<hbm>>
      tpu.enqueue_dma source(%dma_start3A_197 : memref<32x128xf32, #tpu.memory_space<hbm>>) target(%dma_start3A_195 : memref<32x128xf32, #tpu.memory_space<vmem>>) target_semaphore(%arg8 : memref<!tpu.dma_semaphore, #tpu.memory_space<semaphore_mem>>)
      %slice3A_198 = vector.extract_strided_slice %get3A_16 {offsets = [11], sizes = [1], strides = [1]} : vector<16xi32> to vector<1xi32>
      %squeeze3A_199 = vector.extract %slice3A_198[0] : i32 from vector<1xi32>
      %shift_right_arithmetic3A_200 = arith.constant 7 : i32
      %shift_right_arithmetic3A_201 = arith.shrsi %squeeze3A_199, %shift_right_arithmetic3A_200 : i32
      %shift_left3A_202 = arith.constant 7 : i32
      %shift_left3A_203 = arith.shli %shift_right_arithmetic3A_201, %shift_left3A_202 : i32
      %multiple_of3A_204 = tpu.assume_multiple %shift_left3A_203, 128 : i32
      %dma_start3A_205 = arith.constant 0 : i32
      %dma_start3A_206 = arith.constant 1408 : i32
      %dma_start3A_207 = tpu.memref_slice %arg6[%dma_start3A_205, %dma_start3A_206] : memref<32x2048xf32, #tpu.memory_space<vmem>> -> memref<32x128xf32, #tpu.memory_space<vmem>>
      %dma_start3A_208 = arith.constant 0 : i32
      %dma_start3A_209 = tpu.memref_slice %arg3[%dma_start3A_208, %multiple_of3A_204] : memref<32x1000000xf32, #tpu.memory_space<hbm>> -> memref<32x128xf32, #tpu.memory_space<hbm>>
      %dma_start3A_210 = arith.constant 0 : i32
      %dma_start3A_211 = arith.constant 1408 : i32
      %dma_start3A_212 = tpu.memref_slice %arg6[%dma_start3A_210, %dma_start3A_211] : memref<32x2048xf32, #tpu.memory_space<vmem>> -> memref<32x128xf32, #tpu.memory_space<vmem>>
      %dma_start3A_213 = arith.constant 0 : i32
      %dma_start3A_214 = tpu.memref_slice %arg3[%dma_start3A_213, %multiple_of3A_204] : memref<32x1000000xf32, #tpu.memory_space<hbm>> -> memref<32x128xf32, #tpu.memory_space<hbm>>
      tpu.enqueue_dma source(%dma_start3A_214 : memref<32x128xf32, #tpu.memory_space<hbm>>) target(%dma_start3A_212 : memref<32x128xf32, #tpu.memory_space<vmem>>) target_semaphore(%arg8 : memref<!tpu.dma_semaphore, #tpu.memory_space<semaphore_mem>>)
      %slice3A_215 = vector.extract_strided_slice %get3A_16 {offsets = [12], sizes = [1], strides = [1]} : vector<16xi32> to vector<1xi32>
      %squeeze3A_216 = vector.extract %slice3A_215[0] : i32 from vector<1xi32>
      %shift_right_arithmetic3A_217 = arith.constant 7 : i32
      %shift_right_arithmetic3A_218 = arith.shrsi %squeeze3A_216, %shift_right_arithmetic3A_217 : i32
      %shift_left3A_219 = arith.constant 7 : i32
      %shift_left3A_220 = arith.shli %shift_right_arithmetic3A_218, %shift_left3A_219 : i32
      %multiple_of3A_221 = tpu.assume_multiple %shift_left3A_220, 128 : i32
      %dma_start3A_222 = arith.constant 0 : i32
      %dma_start3A_223 = arith.constant 1536 : i32
      %dma_start3A_224 = tpu.memref_slice %arg6[%dma_start3A_222, %dma_start3A_223] : memref<32x2048xf32, #tpu.memory_space<vmem>> -> memref<32x128xf32, #tpu.memory_space<vmem>>
      %dma_start3A_225 = arith.constant 0 : i32
      %dma_start3A_226 = tpu.memref_slice %arg3[%dma_start3A_225, %multiple_of3A_221] : memref<32x1000000xf32, #tpu.memory_space<hbm>> -> memref<32x128xf32, #tpu.memory_space<hbm>>
      %dma_start3A_227 = arith.constant 0 : i32
      %dma_start3A_228 = arith.constant 1536 : i32
      %dma_start3A_229 = tpu.memref_slice %arg6[%dma_start3A_227, %dma_start3A_228] : memref<32x2048xf32, #tpu.memory_space<vmem>> -> memref<32x128xf32, #tpu.memory_space<vmem>>
      %dma_start3A_230 = arith.constant 0 : i32
      %dma_start3A_231 = tpu.memref_slice %arg3[%dma_start3A_230, %multiple_of3A_221] : memref<32x1000000xf32, #tpu.memory_space<hbm>> -> memref<32x128xf32, #tpu.memory_space<hbm>>
      tpu.enqueue_dma source(%dma_start3A_231 : memref<32x128xf32, #tpu.memory_space<hbm>>) target(%dma_start3A_229 : memref<32x128xf32, #tpu.memory_space<vmem>>) target_semaphore(%arg8 : memref<!tpu.dma_semaphore, #tpu.memory_space<semaphore_mem>>)
      %slice3A_232 = vector.extract_strided_slice %get3A_16 {offsets = [13], sizes = [1], strides = [1]} : vector<16xi32> to vector<1xi32>
      %squeeze3A_233 = vector.extract %slice3A_232[0] : i32 from vector<1xi32>
      %shift_right_arithmetic3A_234 = arith.constant 7 : i32
      %shift_right_arithmetic3A_235 = arith.shrsi %squeeze3A_233, %shift_right_arithmetic3A_234 : i32
      %shift_left3A_236 = arith.constant 7 : i32
      %shift_left3A_237 = arith.shli %shift_right_arithmetic3A_235, %shift_left3A_236 : i32
      %multiple_of3A_238 = tpu.assume_multiple %shift_left3A_237, 128 : i32
      %dma_start3A_239 = arith.constant 0 : i32
      %dma_start3A_240 = arith.constant 1664 : i32
      %dma_start3A_241 = tpu.memref_slice %arg6[%dma_start3A_239, %dma_start3A_240] : memref<32x2048xf32, #tpu.memory_space<vmem>> -> memref<32x128xf32, #tpu.memory_space<vmem>>
      %dma_start3A_242 = arith.constant 0 : i32
      %dma_start3A_243 = tpu.memref_slice %arg3[%dma_start3A_242, %multiple_of3A_238] : memref<32x1000000xf32, #tpu.memory_space<hbm>> -> memref<32x128xf32, #tpu.memory_space<hbm>>
      %dma_start3A_244 = arith.constant 0 : i32
      %dma_start3A_245 = arith.constant 1664 : i32
      %dma_start3A_246 = tpu.memref_slice %arg6[%dma_start3A_244, %dma_start3A_245] : memref<32x2048xf32, #tpu.memory_space<vmem>> -> memref<32x128xf32, #tpu.memory_space<vmem>>
      %dma_start3A_247 = arith.constant 0 : i32
      %dma_start3A_248 = tpu.memref_slice %arg3[%dma_start3A_247, %multiple_of3A_238] : memref<32x1000000xf32, #tpu.memory_space<hbm>> -> memref<32x128xf32, #tpu.memory_space<hbm>>
      tpu.enqueue_dma source(%dma_start3A_248 : memref<32x128xf32, #tpu.memory_space<hbm>>) target(%dma_start3A_246 : memref<32x128xf32, #tpu.memory_space<vmem>>) target_semaphore(%arg8 : memref<!tpu.dma_semaphore, #tpu.memory_space<semaphore_mem>>)
      %slice3A_249 = vector.extract_strided_slice %get3A_16 {offsets = [14], sizes = [1], strides = [1]} : vector<16xi32> to vector<1xi32>
      %squeeze3A_250 = vector.extract %slice3A_249[0] : i32 from vector<1xi32>
      %shift_right_arithmetic3A_251 = arith.constant 7 : i32
      %shift_right_arithmetic3A_252 = arith.shrsi %squeeze3A_250, %shift_right_arithmetic3A_251 : i32
      %shift_left3A_253 = arith.constant 7 : i32
      %shift_left3A_254 = arith.shli %shift_right_arithmetic3A_252, %shift_left3A_253 : i32
      %multiple_of3A_255 = tpu.assume_multiple %shift_left3A_254, 128 : i32
      %dma_start3A_256 = arith.constant 0 : i32
      %dma_start3A_257 = arith.constant 1792 : i32
      %dma_start3A_258 = tpu.memref_slice %arg6[%dma_start3A_256, %dma_start3A_257] : memref<32x2048xf32, #tpu.memory_space<vmem>> -> memref<32x128xf32, #tpu.memory_space<vmem>>
      %dma_start3A_259 = arith.constant 0 : i32
      %dma_start3A_260 = tpu.memref_slice %arg3[%dma_start3A_259, %multiple_of3A_255] : memref<32x1000000xf32, #tpu.memory_space<hbm>> -> memref<32x128xf32, #tpu.memory_space<hbm>>
      %dma_start3A_261 = arith.constant 0 : i32
      %dma_start3A_262 = arith.constant 1792 : i32
      %dma_start3A_263 = tpu.memref_slice %arg6[%dma_start3A_261, %dma_start3A_262] : memref<32x2048xf32, #tpu.memory_space<vmem>> -> memref<32x128xf32, #tpu.memory_space<vmem>>
      %dma_start3A_264 = arith.constant 0 : i32
      %dma_start3A_265 = tpu.memref_slice %arg3[%dma_start3A_264, %multiple_of3A_255] : memref<32x1000000xf32, #tpu.memory_space<hbm>> -> memref<32x128xf32, #tpu.memory_space<hbm>>
      tpu.enqueue_dma source(%dma_start3A_265 : memref<32x128xf32, #tpu.memory_space<hbm>>) target(%dma_start3A_263 : memref<32x128xf32, #tpu.memory_space<vmem>>) target_semaphore(%arg8 : memref<!tpu.dma_semaphore, #tpu.memory_space<semaphore_mem>>)
      %slice3A_266 = vector.extract_strided_slice %get3A_16 {offsets = [15], sizes = [1], strides = [1]} : vector<16xi32> to vector<1xi32>
      %squeeze3A_267 = vector.extract %slice3A_266[0] : i32 from vector<1xi32>
      %shift_right_arithmetic3A_268 = arith.constant 7 : i32
      %shift_right_arithmetic3A_269 = arith.shrsi %squeeze3A_267, %shift_right_arithmetic3A_268 : i32
      %shift_left3A_270 = arith.constant 7 : i32
      %shift_left3A_271 = arith.shli %shift_right_arithmetic3A_269, %shift_left3A_270 : i32
      %multiple_of3A_272 = tpu.assume_multiple %shift_left3A_271, 128 : i32
      %dma_start3A_273 = arith.constant 0 : i32
      %dma_start3A_274 = arith.constant 1920 : i32
      %dma_start3A_275 = tpu.memref_slice %arg6[%dma_start3A_273, %dma_start3A_274] : memref<32x2048xf32, #tpu.memory_space<vmem>> -> memref<32x128xf32, #tpu.memory_space<vmem>>
      %dma_start3A_276 = arith.constant 0 : i32
      %dma_start3A_277 = tpu.memref_slice %arg3[%dma_start3A_276, %multiple_of3A_272] : memref<32x1000000xf32, #tpu.memory_space<hbm>> -> memref<32x128xf32, #tpu.memory_space<hbm>>
      %dma_start3A_278 = arith.constant 0 : i32
      %dma_start3A_279 = arith.constant 1920 : i32
      %dma_start3A_280 = tpu.memref_slice %arg6[%dma_start3A_278, %dma_start3A_279] : memref<32x2048xf32, #tpu.memory_space<vmem>> -> memref<32x128xf32, #tpu.memory_space<vmem>>
      %dma_start3A_281 = arith.constant 0 : i32
      %dma_start3A_282 = tpu.memref_slice %arg3[%dma_start3A_281, %multiple_of3A_272] : memref<32x1000000xf32, #tpu.memory_space<hbm>> -> memref<32x128xf32, #tpu.memory_space<hbm>>
      tpu.enqueue_dma source(%dma_start3A_282 : memref<32x128xf32, #tpu.memory_space<hbm>>) target(%dma_start3A_280 : memref<32x128xf32, #tpu.memory_space<vmem>>) target_semaphore(%arg8 : memref<!tpu.dma_semaphore, #tpu.memory_space<semaphore_mem>>)
      %dma_wait3A = arith.constant 0 : i32
      %dma_wait3A_283 = arith.constant 0 : i32
      %dma_wait3A_284 = tpu.memref_slice %arg3[%dma_wait3A, %dma_wait3A_283] : memref<32x1000000xf32, #tpu.memory_space<hbm>> -> memref<32x2048xf32, #tpu.memory_space<hbm>>
      %dma_wait3A_285 = arith.constant 0 : i32
      %dma_wait3A_286 = arith.constant 0 : i32
      %dma_wait3A_287 = tpu.memref_slice %arg3[%dma_wait3A_285, %dma_wait3A_286] : memref<32x1000000xf32, #tpu.memory_space<hbm>> -> memref<32x2048xf32, #tpu.memory_space<hbm>>
      tpu.wait_dma2 semaphore(%arg8 : memref<!tpu.dma_semaphore, #tpu.memory_space<semaphore_mem>>) src(%dma_wait3A_287 : memref<32x2048xf32, #tpu.memory_space<hbm>>) dst(%arg6 : memref<32x2048xf32, #tpu.memory_space<vmem>>)
      %slice3A_288 = vector.extract_strided_slice %get3A_16 {offsets = [0], sizes = [1], strides = [1]} : vector<16xi32> to vector<1xi32>
      %squeeze3A_289 = vector.extract %slice3A_288[0] : i32 from vector<1xi32>
      %and3A = arith.constant 127 : i32
      %and3A_290 = arith.andi %squeeze3A_289, %and3A : i32
      %add3A_291 = arith.constant 0 : i32
      %add3A_292 = arith.addi %add3A_291, %and3A_290 : i32
      %broadcast_in_dim3A = vector.broadcast %add3A_292 : i32 to vector<16xi32>
      %mul3A_293 = arith.constant 16 : i32
      %mul3A_294 = arith.muli %scan3A_12, %mul3A_293 : i32
      %add3A_295 = arith.constant 0 : i32
      %add3A_296 = arith.addi %mul3A_294, %add3A_295 : i32
      %broadcast_in_dim3A_297 = vector.broadcast %add3A_296 : i32 to vector<16xi32>
      %gather3A = tpu.vector_load_idx %arg6[%iota3A, %broadcast_in_dim3A] : memref<32x2048xf32, #tpu.memory_space<vmem>>[vector<16xi32>, vector<16xi32>], vector<16xf32>,
      %gather3A_298 = tpu.vector_load_idx %arg6[%add3A_5, %broadcast_in_dim3A] : memref<32x2048xf32, #tpu.memory_space<vmem>>[vector<16xi32>, vector<16xi32>], vector<16xf32>,
      tpu.vector_store_idx %arg7[%iota3A, %broadcast_in_dim3A_297], %gather3A : memref<32x512xf32, #tpu.memory_space<vmem>>[vector<16xi32>, vector<16xi32>], vector<16xf32>,
      tpu.vector_store_idx %arg7[%add3A_5, %broadcast_in_dim3A_297], %gather3A_298 : memref<32x512xf32, #tpu.memory_space<vmem>>[vector<16xi32>, vector<16xi32>], vector<16xf32>,
      %slice3A_299 = vector.extract_strided_slice %get3A_16 {offsets = [1], sizes = [1], strides = [1]} : vector<16xi32> to vector<1xi32>
      %squeeze3A_300 = vector.extract %slice3A_299[0] : i32 from vector<1xi32>
      %and3A_301 = arith.constant 127 : i32
      %and3A_302 = arith.andi %squeeze3A_300, %and3A_301 : i32
      %add3A_303 = arith.constant 128 : i32
      %add3A_304 = arith.addi %add3A_303, %and3A_302 : i32
      %broadcast_in_dim3A_305 = vector.broadcast %add3A_304 : i32 to vector<16xi32>
      %mul3A_306 = arith.constant 16 : i32
      %mul3A_307 = arith.muli %scan3A_12, %mul3A_306 : i32
      %add3A_308 = arith.constant 1 : i32
      %add3A_309 = arith.addi %mul3A_307, %add3A_308 : i32
      %broadcast_in_dim3A_310 = vector.broadcast %add3A_309 : i32 to vector<16xi32>
      %gather3A_311 = tpu.vector_load_idx %arg6[%iota3A, %broadcast_in_dim3A_305] : memref<32x2048xf32, #tpu.memory_space<vmem>>[vector<16xi32>, vector<16xi32>], vector<16xf32>,
      %gather3A_312 = tpu.vector_load_idx %arg6[%add3A_5, %broadcast_in_dim3A_305] : memref<32x2048xf32, #tpu.memory_space<vmem>>[vector<16xi32>, vector<16xi32>], vector<16xf32>,
      tpu.vector_store_idx %arg7[%iota3A, %broadcast_in_dim3A_310], %gather3A_311 : memref<32x512xf32, #tpu.memory_space<vmem>>[vector<16xi32>, vector<16xi32>], vector<16xf32>,
      tpu.vector_store_idx %arg7[%add3A_5, %broadcast_in_dim3A_310], %gather3A_312 : memref<32x512xf32, #tpu.memory_space<vmem>>[vector<16xi32>, vector<16xi32>], vector<16xf32>,
      %slice3A_313 = vector.extract_strided_slice %get3A_16 {offsets = [2], sizes = [1], strides = [1]} : vector<16xi32> to vector<1xi32>
      %squeeze3A_314 = vector.extract %slice3A_313[0] : i32 from vector<1xi32>
      %and3A_315 = arith.constant 127 : i32
      %and3A_316 = arith.andi %squeeze3A_314, %and3A_315 : i32
      %add3A_317 = arith.constant 256 : i32
      %add3A_318 = arith.addi %add3A_317, %and3A_316 : i32
      %broadcast_in_dim3A_319 = vector.broadcast %add3A_318 : i32 to vector<16xi32>
      %mul3A_320 = arith.constant 16 : i32
      %mul3A_321 = arith.muli %scan3A_12, %mul3A_320 : i32
      %add3A_322 = arith.constant 2 : i32
      %add3A_323 = arith.addi %mul3A_321, %add3A_322 : i32
      %broadcast_in_dim3A_324 = vector.broadcast %add3A_323 : i32 to vector<16xi32>
      %gather3A_325 = tpu.vector_load_idx %arg6[%iota3A, %broadcast_in_dim3A_319] : memref<32x2048xf32, #tpu.memory_space<vmem>>[vector<16xi32>, vector<16xi32>], vector<16xf32>,
      %gather3A_326 = tpu.vector_load_idx %arg6[%add3A_5, %broadcast_in_dim3A_319] : memref<32x2048xf32, #tpu.memory_space<vmem>>[vector<16xi32>, vector<16xi32>], vector<16xf32>,
      tpu.vector_store_idx %arg7[%iota3A, %broadcast_in_dim3A_324], %gather3A_325 : memref<32x512xf32, #tpu.memory_space<vmem>>[vector<16xi32>, vector<16xi32>], vector<16xf32>,
      tpu.vector_store_idx %arg7[%add3A_5, %broadcast_in_dim3A_324], %gather3A_326 : memref<32x512xf32, #tpu.memory_space<vmem>>[vector<16xi32>, vector<16xi32>], vector<16xf32>,
      %slice3A_327 = vector.extract_strided_slice %get3A_16 {offsets = [3], sizes = [1], strides = [1]} : vector<16xi32> to vector<1xi32>
      %squeeze3A_328 = vector.extract %slice3A_327[0] : i32 from vector<1xi32>
      %and3A_329 = arith.constant 127 : i32
      %and3A_330 = arith.andi %squeeze3A_328, %and3A_329 : i32
      %add3A_331 = arith.constant 384 : i32
      %add3A_332 = arith.addi %add3A_331, %and3A_330 : i32
      %broadcast_in_dim3A_333 = vector.broadcast %add3A_332 : i32 to vector<16xi32>
      %mul3A_334 = arith.constant 16 : i32
      %mul3A_335 = arith.muli %scan3A_12, %mul3A_334 : i32
      %add3A_336 = arith.constant 3 : i32
      %add3A_337 = arith.addi %mul3A_335, %add3A_336 : i32
      %broadcast_in_dim3A_338 = vector.broadcast %add3A_337 : i32 to vector<16xi32>
      %gather3A_339 = tpu.vector_load_idx %arg6[%iota3A, %broadcast_in_dim3A_333] : memref<32x2048xf32, #tpu.memory_space<vmem>>[vector<16xi32>, vector<16xi32>], vector<16xf32>,
      %gather3A_340 = tpu.vector_load_idx %arg6[%add3A_5, %broadcast_in_dim3A_333] : memref<32x2048xf32, #tpu.memory_space<vmem>>[vector<16xi32>, vector<16xi32>], vector<16xf32>,
      tpu.vector_store_idx %arg7[%iota3A, %broadcast_in_dim3A_338], %gather3A_339 : memref<32x512xf32, #tpu.memory_space<vmem>>[vector<16xi32>, vector<16xi32>], vector<16xf32>,
      tpu.vector_store_idx %arg7[%add3A_5, %broadcast_in_dim3A_338], %gather3A_340 : memref<32x512xf32, #tpu.memory_space<vmem>>[vector<16xi32>, vector<16xi32>], vector<16xf32>,
      %slice3A_341 = vector.extract_strided_slice %get3A_16 {offsets = [4], sizes = [1], strides = [1]} : vector<16xi32> to vector<1xi32>
      %squeeze3A_342 = vector.extract %slice3A_341[0] : i32 from vector<1xi32>
      %and3A_343 = arith.constant 127 : i32
      %and3A_344 = arith.andi %squeeze3A_342, %and3A_343 : i32
      %add3A_345 = arith.constant 512 : i32
      %add3A_346 = arith.addi %add3A_345, %and3A_344 : i32
      %broadcast_in_dim3A_347 = vector.broadcast %add3A_346 : i32 to vector<16xi32>
      %mul3A_348 = arith.constant 16 : i32
      %mul3A_349 = arith.muli %scan3A_12, %mul3A_348 : i32
      %add3A_350 = arith.constant 4 : i32
      %add3A_351 = arith.addi %mul3A_349, %add3A_350 : i32
      %broadcast_in_dim3A_352 = vector.broadcast %add3A_351 : i32 to vector<16xi32>
      %gather3A_353 = tpu.vector_load_idx %arg6[%iota3A, %broadcast_in_dim3A_347] : memref<32x2048xf32, #tpu.memory_space<vmem>>[vector<16xi32>, vector<16xi32>], vector<16xf32>,
      %gather3A_354 = tpu.vector_load_idx %arg6[%add3A_5, %broadcast_in_dim3A_347] : memref<32x2048xf32, #tpu.memory_space<vmem>>[vector<16xi32>, vector<16xi32>], vector<16xf32>,
      tpu.vector_store_idx %arg7[%iota3A, %broadcast_in_dim3A_352], %gather3A_353 : memref<32x512xf32, #tpu.memory_space<vmem>>[vector<16xi32>, vector<16xi32>], vector<16xf32>,
      tpu.vector_store_idx %arg7[%add3A_5, %broadcast_in_dim3A_352], %gather3A_354 : memref<32x512xf32, #tpu.memory_space<vmem>>[vector<16xi32>, vector<16xi32>], vector<16xf32>,
      %slice3A_355 = vector.extract_strided_slice %get3A_16 {offsets = [5], sizes = [1], strides = [1]} : vector<16xi32> to vector<1xi32>
      %squeeze3A_356 = vector.extract %slice3A_355[0] : i32 from vector<1xi32>
      %and3A_357 = arith.constant 127 : i32
      %and3A_358 = arith.andi %squeeze3A_356, %and3A_357 : i32
      %add3A_359 = arith.constant 640 : i32
      %add3A_360 = arith.addi %add3A_359, %and3A_358 : i32
      %broadcast_in_dim3A_361 = vector.broadcast %add3A_360 : i32 to vector<16xi32>
      %mul3A_362 = arith.constant 16 : i32
      %mul3A_363 = arith.muli %scan3A_12, %mul3A_362 : i32
      %add3A_364 = arith.constant 5 : i32
      %add3A_365 = arith.addi %mul3A_363, %add3A_364 : i32
      %broadcast_in_dim3A_366 = vector.broadcast %add3A_365 : i32 to vector<16xi32>
      %gather3A_367 = tpu.vector_load_idx %arg6[%iota3A, %broadcast_in_dim3A_361] : memref<32x2048xf32, #tpu.memory_space<vmem>>[vector<16xi32>, vector<16xi32>], vector<16xf32>,
      %gather3A_368 = tpu.vector_load_idx %arg6[%add3A_5, %broadcast_in_dim3A_361] : memref<32x2048xf32, #tpu.memory_space<vmem>>[vector<16xi32>, vector<16xi32>], vector<16xf32>,
      tpu.vector_store_idx %arg7[%iota3A, %broadcast_in_dim3A_366], %gather3A_367 : memref<32x512xf32, #tpu.memory_space<vmem>>[vector<16xi32>, vector<16xi32>], vector<16xf32>,
      tpu.vector_store_idx %arg7[%add3A_5, %broadcast_in_dim3A_366], %gather3A_368 : memref<32x512xf32, #tpu.memory_space<vmem>>[vector<16xi32>, vector<16xi32>], vector<16xf32>,
      %slice3A_369 = vector.extract_strided_slice %get3A_16 {offsets = [6], sizes = [1], strides = [1]} : vector<16xi32> to vector<1xi32>
      %squeeze3A_370 = vector.extract %slice3A_369[0] : i32 from vector<1xi32>
      %and3A_371 = arith.constant 127 : i32
      %and3A_372 = arith.andi %squeeze3A_370, %and3A_371 : i32
      %add3A_373 = arith.constant 768 : i32
      %add3A_374 = arith.addi %add3A_373, %and3A_372 : i32
      %broadcast_in_dim3A_375 = vector.broadcast %add3A_374 : i32 to vector<16xi32>
      %mul3A_376 = arith.constant 16 : i32
      %mul3A_377 = arith.muli %scan3A_12, %mul3A_376 : i32
      %add3A_378 = arith.constant 6 : i32
      %add3A_379 = arith.addi %mul3A_377, %add3A_378 : i32
      %broadcast_in_dim3A_380 = vector.broadcast %add3A_379 : i32 to vector<16xi32>
      %gather3A_381 = tpu.vector_load_idx %arg6[%iota3A, %broadcast_in_dim3A_375] : memref<32x2048xf32, #tpu.memory_space<vmem>>[vector<16xi32>, vector<16xi32>], vector<16xf32>,
      %gather3A_382 = tpu.vector_load_idx %arg6[%add3A_5, %broadcast_in_dim3A_375] : memref<32x2048xf32, #tpu.memory_space<vmem>>[vector<16xi32>, vector<16xi32>], vector<16xf32>,
      tpu.vector_store_idx %arg7[%iota3A, %broadcast_in_dim3A_380], %gather3A_381 : memref<32x512xf32, #tpu.memory_space<vmem>>[vector<16xi32>, vector<16xi32>], vector<16xf32>,
      tpu.vector_store_idx %arg7[%add3A_5, %broadcast_in_dim3A_380], %gather3A_382 : memref<32x512xf32, #tpu.memory_space<vmem>>[vector<16xi32>, vector<16xi32>], vector<16xf32>,
      %slice3A_383 = vector.extract_strided_slice %get3A_16 {offsets = [7], sizes = [1], strides = [1]} : vector<16xi32> to vector<1xi32>
      %squeeze3A_384 = vector.extract %slice3A_383[0] : i32 from vector<1xi32>
      %and3A_385 = arith.constant 127 : i32
      %and3A_386 = arith.andi %squeeze3A_384, %and3A_385 : i32
      %add3A_387 = arith.constant 896 : i32
      %add3A_388 = arith.addi %add3A_387, %and3A_386 : i32
      %broadcast_in_dim3A_389 = vector.broadcast %add3A_388 : i32 to vector<16xi32>
      %mul3A_390 = arith.constant 16 : i32
      %mul3A_391 = arith.muli %scan3A_12, %mul3A_390 : i32
      %add3A_392 = arith.constant 7 : i32
      %add3A_393 = arith.addi %mul3A_391, %add3A_392 : i32
      %broadcast_in_dim3A_394 = vector.broadcast %add3A_393 : i32 to vector<16xi32>
      %gather3A_395 = tpu.vector_load_idx %arg6[%iota3A, %broadcast_in_dim3A_389] : memref<32x2048xf32, #tpu.memory_space<vmem>>[vector<16xi32>, vector<16xi32>], vector<16xf32>,
      %gather3A_396 = tpu.vector_load_idx %arg6[%add3A_5, %broadcast_in_dim3A_389] : memref<32x2048xf32, #tpu.memory_space<vmem>>[vector<16xi32>, vector<16xi32>], vector<16xf32>,
      tpu.vector_store_idx %arg7[%iota3A, %broadcast_in_dim3A_394], %gather3A_395 : memref<32x512xf32, #tpu.memory_space<vmem>>[vector<16xi32>, vector<16xi32>], vector<16xf32>,
      tpu.vector_store_idx %arg7[%add3A_5, %broadcast_in_dim3A_394], %gather3A_396 : memref<32x512xf32, #tpu.memory_space<vmem>>[vector<16xi32>, vector<16xi32>], vector<16xf32>,
      %slice3A_397 = vector.extract_strided_slice %get3A_16 {offsets = [8], sizes = [1], strides = [1]} : vector<16xi32> to vector<1xi32>
      %squeeze3A_398 = vector.extract %slice3A_397[0] : i32 from vector<1xi32>
      %and3A_399 = arith.constant 127 : i32
      %and3A_400 = arith.andi %squeeze3A_398, %and3A_399 : i32
      %add3A_401 = arith.constant 1024 : i32
      %add3A_402 = arith.addi %add3A_401, %and3A_400 : i32
      %broadcast_in_dim3A_403 = vector.broadcast %add3A_402 : i32 to vector<16xi32>
      %mul3A_404 = arith.constant 16 : i32
      %mul3A_405 = arith.muli %scan3A_12, %mul3A_404 : i32
      %add3A_406 = arith.constant 8 : i32
      %add3A_407 = arith.addi %mul3A_405, %add3A_406 : i32
      %broadcast_in_dim3A_408 = vector.broadcast %add3A_407 : i32 to vector<16xi32>
      %gather3A_409 = tpu.vector_load_idx %arg6[%iota3A, %broadcast_in_dim3A_403] : memref<32x2048xf32, #tpu.memory_space<vmem>>[vector<16xi32>, vector<16xi32>], vector<16xf32>,
      %gather3A_410 = tpu.vector_load_idx %arg6[%add3A_5, %broadcast_in_dim3A_403] : memref<32x2048xf32, #tpu.memory_space<vmem>>[vector<16xi32>, vector<16xi32>], vector<16xf32>,
      tpu.vector_store_idx %arg7[%iota3A, %broadcast_in_dim3A_408], %gather3A_409 : memref<32x512xf32, #tpu.memory_space<vmem>>[vector<16xi32>, vector<16xi32>], vector<16xf32>,
      tpu.vector_store_idx %arg7[%add3A_5, %broadcast_in_dim3A_408], %gather3A_410 : memref<32x512xf32, #tpu.memory_space<vmem>>[vector<16xi32>, vector<16xi32>], vector<16xf32>,
      %slice3A_411 = vector.extract_strided_slice %get3A_16 {offsets = [9], sizes = [1], strides = [1]} : vector<16xi32> to vector<1xi32>
      %squeeze3A_412 = vector.extract %slice3A_411[0] : i32 from vector<1xi32>
      %and3A_413 = arith.constant 127 : i32
      %and3A_414 = arith.andi %squeeze3A_412, %and3A_413 : i32
      %add3A_415 = arith.constant 1152 : i32
      %add3A_416 = arith.addi %add3A_415, %and3A_414 : i32
      %broadcast_in_dim3A_417 = vector.broadcast %add3A_416 : i32 to vector<16xi32>
      %mul3A_418 = arith.constant 16 : i32
      %mul3A_419 = arith.muli %scan3A_12, %mul3A_418 : i32
      %add3A_420 = arith.constant 9 : i32
      %add3A_421 = arith.addi %mul3A_419, %add3A_420 : i32
      %broadcast_in_dim3A_422 = vector.broadcast %add3A_421 : i32 to vector<16xi32>
      %gather3A_423 = tpu.vector_load_idx %arg6[%iota3A, %broadcast_in_dim3A_417] : memref<32x2048xf32, #tpu.memory_space<vmem>>[vector<16xi32>, vector<16xi32>], vector<16xf32>,
      %gather3A_424 = tpu.vector_load_idx %arg6[%add3A_5, %broadcast_in_dim3A_417] : memref<32x2048xf32, #tpu.memory_space<vmem>>[vector<16xi32>, vector<16xi32>], vector<16xf32>,
      tpu.vector_store_idx %arg7[%iota3A, %broadcast_in_dim3A_422], %gather3A_423 : memref<32x512xf32, #tpu.memory_space<vmem>>[vector<16xi32>, vector<16xi32>], vector<16xf32>,
      tpu.vector_store_idx %arg7[%add3A_5, %broadcast_in_dim3A_422], %gather3A_424 : memref<32x512xf32, #tpu.memory_space<vmem>>[vector<16xi32>, vector<16xi32>], vector<16xf32>,
      %slice3A_425 = vector.extract_strided_slice %get3A_16 {offsets = [10], sizes = [1], strides = [1]} : vector<16xi32> to vector<1xi32>
      %squeeze3A_426 = vector.extract %slice3A_425[0] : i32 from vector<1xi32>
      %and3A_427 = arith.constant 127 : i32
      %and3A_428 = arith.andi %squeeze3A_426, %and3A_427 : i32
      %add3A_429 = arith.constant 1280 : i32
      %add3A_430 = arith.addi %add3A_429, %and3A_428 : i32
      %broadcast_in_dim3A_431 = vector.broadcast %add3A_430 : i32 to vector<16xi32>
      %mul3A_432 = arith.constant 16 : i32
      %mul3A_433 = arith.muli %scan3A_12, %mul3A_432 : i32
      %add3A_434 = arith.constant 10 : i32
      %add3A_435 = arith.addi %mul3A_433, %add3A_434 : i32
      %broadcast_in_dim3A_436 = vector.broadcast %add3A_435 : i32 to vector<16xi32>
      %gather3A_437 = tpu.vector_load_idx %arg6[%iota3A, %broadcast_in_dim3A_431] : memref<32x2048xf32, #tpu.memory_space<vmem>>[vector<16xi32>, vector<16xi32>], vector<16xf32>,
      %gather3A_438 = tpu.vector_load_idx %arg6[%add3A_5, %broadcast_in_dim3A_431] : memref<32x2048xf32, #tpu.memory_space<vmem>>[vector<16xi32>, vector<16xi32>], vector<16xf32>,
      tpu.vector_store_idx %arg7[%iota3A, %broadcast_in_dim3A_436], %gather3A_437 : memref<32x512xf32, #tpu.memory_space<vmem>>[vector<16xi32>, vector<16xi32>], vector<16xf32>,
      tpu.vector_store_idx %arg7[%add3A_5, %broadcast_in_dim3A_436], %gather3A_438 : memref<32x512xf32, #tpu.memory_space<vmem>>[vector<16xi32>, vector<16xi32>], vector<16xf32>,
      %slice3A_439 = vector.extract_strided_slice %get3A_16 {offsets = [11], sizes = [1], strides = [1]} : vector<16xi32> to vector<1xi32>
      %squeeze3A_440 = vector.extract %slice3A_439[0] : i32 from vector<1xi32>
      %and3A_441 = arith.constant 127 : i32
      %and3A_442 = arith.andi %squeeze3A_440, %and3A_441 : i32
      %add3A_443 = arith.constant 1408 : i32
      %add3A_444 = arith.addi %add3A_443, %and3A_442 : i32
      %broadcast_in_dim3A_445 = vector.broadcast %add3A_444 : i32 to vector<16xi32>
      %mul3A_446 = arith.constant 16 : i32
      %mul3A_447 = arith.muli %scan3A_12, %mul3A_446 : i32
      %add3A_448 = arith.constant 11 : i32
      %add3A_449 = arith.addi %mul3A_447, %add3A_448 : i32
      %broadcast_in_dim3A_450 = vector.broadcast %add3A_449 : i32 to vector<16xi32>
      %gather3A_451 = tpu.vector_load_idx %arg6[%iota3A, %broadcast_in_dim3A_445] : memref<32x2048xf32, #tpu.memory_space<vmem>>[vector<16xi32>, vector<16xi32>], vector<16xf32>,
      %gather3A_452 = tpu.vector_load_idx %arg6[%add3A_5, %broadcast_in_dim3A_445] : memref<32x2048xf32, #tpu.memory_space<vmem>>[vector<16xi32>, vector<16xi32>], vector<16xf32>,
      tpu.vector_store_idx %arg7[%iota3A, %broadcast_in_dim3A_450], %gather3A_451 : memref<32x512xf32, #tpu.memory_space<vmem>>[vector<16xi32>, vector<16xi32>], vector<16xf32>,
      tpu.vector_store_idx %arg7[%add3A_5, %broadcast_in_dim3A_450], %gather3A_452 : memref<32x512xf32, #tpu.memory_space<vmem>>[vector<16xi32>, vector<16xi32>], vector<16xf32>,
      %slice3A_453 = vector.extract_strided_slice %get3A_16 {offsets = [12], sizes = [1], strides = [1]} : vector<16xi32> to vector<1xi32>
      %squeeze3A_454 = vector.extract %slice3A_453[0] : i32 from vector<1xi32>
      %and3A_455 = arith.constant 127 : i32
      %and3A_456 = arith.andi %squeeze3A_454, %and3A_455 : i32
      %add3A_457 = arith.constant 1536 : i32
      %add3A_458 = arith.addi %add3A_457, %and3A_456 : i32
      %broadcast_in_dim3A_459 = vector.broadcast %add3A_458 : i32 to vector<16xi32>
      %mul3A_460 = arith.constant 16 : i32
      %mul3A_461 = arith.muli %scan3A_12, %mul3A_460 : i32
      %add3A_462 = arith.constant 12 : i32
      %add3A_463 = arith.addi %mul3A_461, %add3A_462 : i32
      %broadcast_in_dim3A_464 = vector.broadcast %add3A_463 : i32 to vector<16xi32>
      %gather3A_465 = tpu.vector_load_idx %arg6[%iota3A, %broadcast_in_dim3A_459] : memref<32x2048xf32, #tpu.memory_space<vmem>>[vector<16xi32>, vector<16xi32>], vector<16xf32>,
      %gather3A_466 = tpu.vector_load_idx %arg6[%add3A_5, %broadcast_in_dim3A_459] : memref<32x2048xf32, #tpu.memory_space<vmem>>[vector<16xi32>, vector<16xi32>], vector<16xf32>,
      tpu.vector_store_idx %arg7[%iota3A, %broadcast_in_dim3A_464], %gather3A_465 : memref<32x512xf32, #tpu.memory_space<vmem>>[vector<16xi32>, vector<16xi32>], vector<16xf32>,
      tpu.vector_store_idx %arg7[%add3A_5, %broadcast_in_dim3A_464], %gather3A_466 : memref<32x512xf32, #tpu.memory_space<vmem>>[vector<16xi32>, vector<16xi32>], vector<16xf32>,
      %slice3A_467 = vector.extract_strided_slice %get3A_16 {offsets = [13], sizes = [1], strides = [1]} : vector<16xi32> to vector<1xi32>
      %squeeze3A_468 = vector.extract %slice3A_467[0] : i32 from vector<1xi32>
      %and3A_469 = arith.constant 127 : i32
      %and3A_470 = arith.andi %squeeze3A_468, %and3A_469 : i32
      %add3A_471 = arith.constant 1664 : i32
      %add3A_472 = arith.addi %add3A_471, %and3A_470 : i32
      %broadcast_in_dim3A_473 = vector.broadcast %add3A_472 : i32 to vector<16xi32>
      %mul3A_474 = arith.constant 16 : i32
      %mul3A_475 = arith.muli %scan3A_12, %mul3A_474 : i32
      %add3A_476 = arith.constant 13 : i32
      %add3A_477 = arith.addi %mul3A_475, %add3A_476 : i32
      %broadcast_in_dim3A_478 = vector.broadcast %add3A_477 : i32 to vector<16xi32>
      %gather3A_479 = tpu.vector_load_idx %arg6[%iota3A, %broadcast_in_dim3A_473] : memref<32x2048xf32, #tpu.memory_space<vmem>>[vector<16xi32>, vector<16xi32>], vector<16xf32>,
      %gather3A_480 = tpu.vector_load_idx %arg6[%add3A_5, %broadcast_in_dim3A_473] : memref<32x2048xf32, #tpu.memory_space<vmem>>[vector<16xi32>, vector<16xi32>], vector<16xf32>,
      tpu.vector_store_idx %arg7[%iota3A, %broadcast_in_dim3A_478], %gather3A_479 : memref<32x512xf32, #tpu.memory_space<vmem>>[vector<16xi32>, vector<16xi32>], vector<16xf32>,
      tpu.vector_store_idx %arg7[%add3A_5, %broadcast_in_dim3A_478], %gather3A_480 : memref<32x512xf32, #tpu.memory_space<vmem>>[vector<16xi32>, vector<16xi32>], vector<16xf32>,
      %slice3A_481 = vector.extract_strided_slice %get3A_16 {offsets = [14], sizes = [1], strides = [1]} : vector<16xi32> to vector<1xi32>
      %squeeze3A_482 = vector.extract %slice3A_481[0] : i32 from vector<1xi32>
      %and3A_483 = arith.constant 127 : i32
      %and3A_484 = arith.andi %squeeze3A_482, %and3A_483 : i32
      %add3A_485 = arith.constant 1792 : i32
      %add3A_486 = arith.addi %add3A_485, %and3A_484 : i32
      %broadcast_in_dim3A_487 = vector.broadcast %add3A_486 : i32 to vector<16xi32>
      %mul3A_488 = arith.constant 16 : i32
      %mul3A_489 = arith.muli %scan3A_12, %mul3A_488 : i32
      %add3A_490 = arith.constant 14 : i32
      %add3A_491 = arith.addi %mul3A_489, %add3A_490 : i32
      %broadcast_in_dim3A_492 = vector.broadcast %add3A_491 : i32 to vector<16xi32>
      %gather3A_493 = tpu.vector_load_idx %arg6[%iota3A, %broadcast_in_dim3A_487] : memref<32x2048xf32, #tpu.memory_space<vmem>>[vector<16xi32>, vector<16xi32>], vector<16xf32>,
      %gather3A_494 = tpu.vector_load_idx %arg6[%add3A_5, %broadcast_in_dim3A_487] : memref<32x2048xf32, #tpu.memory_space<vmem>>[vector<16xi32>, vector<16xi32>], vector<16xf32>,
      tpu.vector_store_idx %arg7[%iota3A, %broadcast_in_dim3A_492], %gather3A_493 : memref<32x512xf32, #tpu.memory_space<vmem>>[vector<16xi32>, vector<16xi32>], vector<16xf32>,
      tpu.vector_store_idx %arg7[%add3A_5, %broadcast_in_dim3A_492], %gather3A_494 : memref<32x512xf32, #tpu.memory_space<vmem>>[vector<16xi32>, vector<16xi32>], vector<16xf32>,
      %slice3A_495 = vector.extract_strided_slice %get3A_16 {offsets = [15], sizes = [1], strides = [1]} : vector<16xi32> to vector<1xi32>
      %squeeze3A_496 = vector.extract %slice3A_495[0] : i32 from vector<1xi32>
      %and3A_497 = arith.constant 127 : i32
      %and3A_498 = arith.andi %squeeze3A_496, %and3A_497 : i32
      %add3A_499 = arith.constant 1920 : i32
      %add3A_500 = arith.addi %add3A_499, %and3A_498 : i32
      %broadcast_in_dim3A_501 = vector.broadcast %add3A_500 : i32 to vector<16xi32>
      %mul3A_502 = arith.constant 16 : i32
      %mul3A_503 = arith.muli %scan3A_12, %mul3A_502 : i32
      %add3A_504 = arith.constant 15 : i32
      %add3A_505 = arith.addi %mul3A_503, %add3A_504 : i32
      %broadcast_in_dim3A_506 = vector.broadcast %add3A_505 : i32 to vector<16xi32>
      %gather3A_507 = tpu.vector_load_idx %arg6[%iota3A, %broadcast_in_dim3A_501] : memref<32x2048xf32, #tpu.memory_space<vmem>>[vector<16xi32>, vector<16xi32>], vector<16xf32>,
      %gather3A_508 = tpu.vector_load_idx %arg6[%add3A_5, %broadcast_in_dim3A_501] : memref<32x2048xf32, #tpu.memory_space<vmem>>[vector<16xi32>, vector<16xi32>], vector<16xf32>,
      tpu.vector_store_idx %arg7[%iota3A, %broadcast_in_dim3A_506], %gather3A_507 : memref<32x512xf32, #tpu.memory_space<vmem>>[vector<16xi32>, vector<16xi32>], vector<16xf32>,
      tpu.vector_store_idx %arg7[%add3A_5, %broadcast_in_dim3A_506], %gather3A_508 : memref<32x512xf32, #tpu.memory_space<vmem>>[vector<16xi32>, vector<16xi32>], vector<16xf32>,
      %scan3A_509 = arith.constant 0 : i32
      scf.yield %scan3A_509 : i32
    }
    %scan3A_11 = arith.constant 32 : i32
    "tpu.region"() ({
      %run_scoped3A = tpu.sem_alloc : memref<!tpu.dma_semaphore, #tpu.memory_space<semaphore_mem>>
      %dma_start3A = arith.constant 0 : i32
      %dma_start3A_12 = tpu.memref_slice %arg4[%dma_start3A, %mul3A_2] : memref<32x16384xf32, #tpu.memory_space<hbm>> -> memref<32x512xf32, #tpu.memory_space<hbm>>
      %dma_start3A_13 = arith.constant 0 : i32
      %dma_start3A_14 = tpu.memref_slice %arg4[%dma_start3A_13, %mul3A_2] : memref<32x16384xf32, #tpu.memory_space<hbm>> -> memref<32x512xf32, #tpu.memory_space<hbm>>
      tpu.enqueue_dma source(%arg7 : memref<32x512xf32, #tpu.memory_space<vmem>>) target(%dma_start3A_14 : memref<32x512xf32, #tpu.memory_space<hbm>>) target_semaphore(%run_scoped3A : memref<!tpu.dma_semaphore, #tpu.memory_space<semaphore_mem>>)
      %dma_wait3A = arith.constant 0 : i32
      %dma_wait3A_15 = tpu.memref_slice %arg4[%dma_wait3A, %mul3A_2] : memref<32x16384xf32, #tpu.memory_space<hbm>> -> memref<32x512xf32, #tpu.memory_space<hbm>>
      %dma_wait3A_16 = arith.constant 0 : i32
      %dma_wait3A_17 = tpu.memref_slice %arg4[%dma_wait3A_16, %mul3A_2] : memref<32x16384xf32, #tpu.memory_space<hbm>> -> memref<32x512xf32, #tpu.memory_space<hbm>>
      tpu.wait_dma2 semaphore(%run_scoped3A : memref<!tpu.dma_semaphore, #tpu.memory_space<semaphore_mem>>) src(%arg7 : memref<32x512xf32, #tpu.memory_space<vmem>>) dst(%dma_wait3A_17 : memref<32x512xf32, #tpu.memory_space<hbm>>)
      tpu.yield
    }) : () -> ()
    return
  }
}

</mosaic_0001>

<sc_bundles>
// kernel: _gather.3.cloned.1.call-start
scs
__scs_entry_jumppad:
0x0: {  	(pc) =	sbr.rel $0x88, $3  }
0x1: {  	(tag) =	ssettag $0x0;
	lr =	simm.s32 $0x1  }
0x2: {  	[smem:$0x3F9F] =	sst lr;
	_ =	strace $0xD0000000  }
0x3: {  	_ = 	snop  }
0x4: {  	_ = 	snop  }
0x5: {  	_ = 	snop  }
0x6: {  	_ = 	snop  }
0x7: {  	_ = 	snop  }
__scs_overlays_trampoline_lowered:
0x8: {  	[smem:$0x3FAE] =	sst s0  }
0x9: {  	[smem:$0x3FAF] =	sst s1  }
0xa: {  	[smem:$0x3FB0] =	sst s2  }
0xb: {  	[smem:$0x3FB1] =	sst s3  }
0xc: {  	[smem:$0x3FB2] =	sst s4  }
0xd: {  	[smem:$0x3FB3] =	sst s5  }
0xe: {  	[smem:$0x3FB4] =	sst s6  }
0xf: {  	[smem:$0x3FB5] =	sst s7  }
0x10: {  	[smem:$0x3FB6] =	sst s8  }
0x11: {  	[smem:$0x3FB7] =	sst s9;
	s0 =	simm.s32 @!p0 $0x0  }
0x12: {  	s1 =	sld [smem:$0x3F9D];
	s0 =	simm.s32 @p0 $0x1  }
0x13: {  	[smem:$0x3FB8] =	sst s0;
	s0 =	simm.s32 @!p1 $0x0  }
0x14: {  	s2 =	sld [smem:$0x3F9C];
	s0 =	simm.s32 @p1 $0x1  }
0x15: {  	[smem:$0x3FB9] =	sst s0;
	s0 =	simm.s32 @!p2 $0x0  }
0x16: {  	s3 =	sld [smem:$0x3FDB];
	s0 =	simm.s32 @p2 $0x1  }
0x17: {  	s4 =	simm.s32 $0x1BF5;
	[smem:$0x3FBB] =	sst s0  }
0x18: {  	s0 =	sld [smem:$0x3F9E];
	_ =	swait.ge [sflag:s4], $0x0  }
0x19: {  	s7 =	sld [smem:$0x3F9F]  }
0x1a: {  	s8 =	sadd.s32 $0xFFFFE003, lr  }
0x1b: {  	s9 =	sadd.s32 $0xFFFFFEF7, lr;
	s5 =	simm.s32 $0xFFFFFFFF;
	p2 =	slt.u32 s8, $0xFFFFF086  }
0x1c: {  	p1 =	slt.u32 s9, $0xF7A;
	s5 =	simm.s32 @!p2 $0x0  }
0x1d: {  	s5 =	simm.s32 @p1 $0x1;
	p0 =	seq.s32 s7, s2  }
0x1e: {  	s7 =	smul.u32 @!p0 $0xF7A, s2;
	p2 =	seq.s32 @!p0 s5, $0x0  }
0x1f: {  	s9 =	smul.u32 $0xF7A, s1;
	s8 =	simm.s32 @!p0 $0x1BF5;
	p2 =	por !p2, p0  }
0x20: {  	[sflag:s8] =	ssyncset.s32 @!p0 $0xFFFFF086;
	s6 =	sadd.s32 @!p0 s3, s7;
	s7 =	simm.s32 @!p0 $0x108  }
0x21: {  	s3 =	sadd.s32 s3, s9;
	s6 =	sadd.s32 @!p0 $0x88, s6;
	s7 =	simm.s32 @p2 $0x1082  }
0x22: {  	[simem:s7], [sflag:s8] =	dma.local @!p0 [hbm:s6], $0xF7A  }
0x23: {  	s9 =	sor.u32 $0xD0000000, s2;
	s6 =	simm.s32 $0x108;
	_ =	swait.ge @!p0 [sflag:s8], $0x0  }
0x24: {  	s3 =	sadd.s32 $0x88, s3;
	s6 =	simm.s32 @!p1 $0x1082;
	[sflag:s4] =	ssyncset.s32 $0xFFFFF086  }
0x25: {  	[simem:s6], [sflag:s4] =	dma.local [hbm:s3], $0xF7A  }
0x26: {  	[smem:$0x3F9F] =	sst s1;
	(tag) =	ssettag s2;
	_ =	strace s9  }
0x27: {  	s1 =	sld [smem:$0x3FAF]  }
0x28: {  	s2 =	sld [smem:$0x3FB0]  }
0x29: {  	s4 =	sld [smem:$0x3FB2]  }
0x2a: {  	p0 =	seq.s32 s5, $0x0;
	s5 =	sld [smem:$0x3FB3]  }
0x2b: {  	s6 =	sld [smem:$0x3FB4]  }
0x2c: {  	s7 =	sld [smem:$0x3FB5]  }
0x2d: {  	s3 =	simm.s32 $0x108;
	s8 =	sld [smem:$0x3FB6]  }
0x2e: {  	s3 =	simm.s32 @!p0 $0x1082;
	s9 =	sld [smem:$0x3FB7]  }
0x2f: {  	lr =	sadd.s32 s0, s3;
	s0 =	sld [smem:$0x3FAE]  }
0x30: {  	s3 =	sld [smem:$0x3FB1]  }
0x31: {  	[smem:$0x3FBA] =	sst s10  }
0x32: {  	s10 =	sld [smem:$0x3FB8];
	_ =	sdelay $0x3  }
0x33: {  	p0 =	seq.s32 s10, $0x1;
	s10 =	sld [smem:$0x3FBA];
	_ =	sdelay $0x3  }
0x34: {  	[smem:$0x3FBA] =	sst s10  }
0x35: {  	s10 =	sld [smem:$0x3FB9];
	_ =	sdelay $0x3  }
0x36: {  	p1 =	seq.s32 s10, $0x1;
	s10 =	sld [smem:$0x3FBA];
	_ =	sdelay $0x3  }
0x37: {  	[smem:$0x3FBA] =	sst s10  }
0x38: {  	s10 =	sld [smem:$0x3FBB]  }
0x39: {  	_ = 	snop;
	(pc) =	sbr.ind lr, $3  }
0x3a: {  	_ = 	snop  }
0x3b: {  	_ = 	snop  }
0x3c: {  	p2 =	seq.s32 s10, $0x1;
	s10 =	sld [smem:$0x3FBA]  }
0x3d: {  	_ =	shalt  }
0x3e: {  	_ =	shalt  }
0x3f: {  	_ =	shalt  }
0x40: {  	_ =	shalt  }
0x41: {  	_ =	shalt  }
0x42: {  	_ =	shalt  }
0x43: {  	_ =	shalt  }
0x44: {  	_ =	shalt  }
0x45: {  	_ =	shalt  }
0x46: {  	_ =	shalt  }
0x47: {  	_ =	shalt  }
0x48: {  	_ =	shalt  }
0x49: {  	_ =	shalt  }
0x4a: {  	_ =	shalt  }
0x4b: {  	_ =	shalt  }
0x4c: {  	_ =	shalt  }
0x4d: {  	_ =	shalt  }
0x4e: {  	_ =	shalt  }
0x4f: {  	_ =	shalt  }
0x50: {  	_ =	shalt  }
0x51: {  	_ =	shalt  }
0x52: {  	_ =	shalt  }
0x53: {  	_ =	shalt  }
0x54: {  	_ =	shalt  }
0x55: {  	_ =	shalt  }
0x56: {  	_ =	shalt  }
0x57: {  	_ =	shalt  }
0x58: {  	_ =	shalt  }
0x59: {  	_ =	shalt  }
0x5a: {  	_ =	shalt  }
0x5b: {  	_ =	shalt  }
0x5c: {  	_ =	shalt  }
0x5d: {  	_ =	shalt  }
0x5e: {  	_ =	shalt  }
0x5f: {  	_ =	shalt  }
0x60: {  	_ =	shalt  }
0x61: {  	_ =	shalt  }
0x62: {  	_ =	shalt  }
0x63: {  	_ =	shalt  }
0x64: {  	_ =	shalt  }
0x65: {  	_ =	shalt  }
0x66: {  	_ =	shalt  }
0x67: {  	_ =	shalt  }
0x68: {  	_ =	shalt  }
0x69: {  	_ =	shalt  }
0x6a: {  	_ =	shalt  }
0x6b: {  	_ =	shalt  }
0x6c: {  	_ =	shalt  }
0x6d: {  	_ =	shalt  }
0x6e: {  	_ =	shalt  }
0x6f: {  	_ =	shalt  }
0x70: {  	_ =	shalt  }
0x71: {  	_ =	shalt  }
0x72: {  	_ =	shalt  }
0x73: {  	_ =	shalt  }
0x74: {  	_ =	shalt  }
0x75: {  	_ =	shalt  }
0x76: {  	_ =	shalt  }
0x77: {  	_ =	shalt  }
0x78: {  	_ =	shalt  }
0x79: {  	_ =	shalt  }
0x7a: {  	_ =	shalt  }
0x7b: {  	_ =	shalt  }
0x7c: {  	_ =	shalt  }
0x7d: {  	_ =	shalt  }
0x7e: {  	_ =	shalt  }
0x7f: {  	_ =	shalt  }
0x80: {  	_ =	shalt  }
0x81: {  	_ =	shalt  }
0x82: {  	_ =	shalt  }
0x83: {  	_ =	shalt  }
0x84: {  	_ =	shalt  }
0x85: {  	_ =	shalt  }
0x86: {  	_ =	shalt  }
0x87: {  	_ =	shalt  }
.Lfunc_end0:
.L_simem_size_0:
called_computation_lowered:
.L_overlay_start_0:
0x88: {  	s2 =	sld [smem:$0x3FD9]  }
0x89: {  	s3 =	sld [smem:$0x3FFE];
	_ =	sdelay $0x1  }
0x8a: {  	s1 =	srdreg.scid  }
0x8b: {  	s0 =	sand.u32 $0x1, s1  }
0x8c: {  	s18 =	sshll.u32 s0, $0xA;
	s2 =	sadd.s32 s3, s2  }
0x8d: {  	s2 =	sadd.s32 s2, s18  }
0x8e: {  	[smem:$0x3FC6] =	sst s2  }
0x8f: {  	_ = 	snop  }
0x90: {  	s2 =	sld [smem:$0x3FC9]  }
0x91: {  	s19 =	sld [smem:$0x3FC8]  }
0x92: {  	s4 =	sld [smem:$0x3FD0];
	(tm) =	ssettm $0x1  }
0x93: {  	s5 =	sld [smem:$0x3FFB];
	_ =	sdelay $0x3  }
0x94: {  	_ =	strace s5  }
0x95: {  	s5 =	sld [smem:$0x3FFC];
	_ =	sdelay $0x3  }
0x96: {  	_ =	strace s5  }
0x97: {  	s5 =	sld [smem:$0x3FFD];
	_ =	sdelay $0x3  }
0x98: {  	_ =	strace s5  }
0x99: {  	_ =	strace $0x8FFFFFFF  }
0x9a: {  	s20 =	sld [smem:$0x3FDB];
	_ =	sdelay $0x1  }
0x9b: {  	s6 =	simm.s32 $_scs_section_size  }
0x9c: {  	s7 =	simm.s32 $_size__tile_overlayer_lowered;
	s8 =	simm.s32 $_tile_overlayer_lowered  }
0x9d: {  	s23 =	simm.s32 $0x1BFF;
	s22 =	sshll.u32 s8, $0x1;
	s5 =	sadd.s32 s6, s20  }
0x9e: {  	s9 =	simm.s32 $0x0;
	s21 =	sshll.u32 s7, $0x1;
	s7 =	sadd.s32 s22, s5  }
0x9f: {  	[timem:s9], [sflag:s23] =	dma.local [hbm:s7], s21  }
0xa0: {  	_ =	swait.ge [sflag:s23], s21  }
0xa1: {  	s6 =	ssub.s32 $0x0, s21;
	[sflag:s23] =	ssyncset.done $0x0  }
0xa2: {  	[sflag:s23] =	ssyncadd.s32 s6;
	_ =	sdelay $0x1  }
0xa3: {  	s24 =	simm.s32 $0x1B8B  }
0xa4: {  	_ =	swait.ge [sflag:s24], $0x1  }
0xa5: {  	[sflag:s24] =	ssyncset.done $0x0  }
0xa6: {  	s25 =	simm.s32 $0x1B8E;
	[sflag:s24] =	ssyncadd.s32 $0xFFFFFFFF  }
0xa7: {  	s26 =	simm.s32 $execute0_lowered;
	[smem:$0x3FD2] =	sst s25  }
0xa8: {  	s6 =	sshll.u32 s26, $0x1;
	_ =	strace $0x80000046;
	[dreg:$0x1] =	wrdreg $0xFFFFFFFF  }
0xa9: {  	s28 =	simm.s32 $_size_execute0_lowered;
	s5 =	sadd.s32 s5, s6;
	[dreg:$0x0] =	wrdreg $0x0  }
0xaa: {  	s6 =	sshll.u32 s28, $0x1;
	[dreg:$0x2] =	wrdreg s5  }
0xab: {  	[dreg:$0x3] =	wrdreg s6  }
0xac: {  	[dreg:$0x4] =	wrdreg $0xC0  }
0xad: {  	_ =	task [dreg:s9], $0x5FFFF  }
0xae: {  	[dreg:$0x1] =	wrdreg $0xFFFFFFFF  }
0xaf: {  	[dreg:$0x0] =	wrdreg $0x60  }
0xb0: {  	[dreg:$0x2] =	wrdreg s2  }
0xb1: {  	[dreg:$0x3] =	wrdreg s19  }
0xb2: {  	[dreg:$0x4] =	wrdreg s4  }
0xb3: {  	[dreg:$0x5] =	wrdreg $0x9  }
0xb4: {  	_ =	task.clear_ibuf [dreg:s9], $0x6FFFF;
	_ =	strace $0x90000046  }
0xb5: {  	s29 =	simm.s32 $0x9;
	_ =	strace $0x80000048  }
0xb6: {  	_ =	swait.ge [sflag:s29], $0x1  }
0xb7: {  	[sflag:s29] =	ssyncadd.s32 $0xFFFFFFFF  }
0xb8: {  	_ =	strace $0x90000048  }
0xb9: {  	_ =	sfence  }
0xba: {  	s30 =	sld [smem:$0x0];
	_ =	sdelay $0x2  }
0xbb: {  	s31 =	sshll.u32 s1, $0xD;
	s1 =	sshrl.u32 s1, $0x2  }
0xbc: {  	s3 =	sand.u32 $0x4000, s31;
	s1 =	sadd.s32 s1, s30  }
0xbd: {  	s0 =	sor.u32 s3, s0;
	s1 =	sshll.u32 s1, $0x11  }
0xbe: {  	s0 =	sor.u32 s1, s0  }
0xbf: {  	s0 =	sadd.s32 $0x8F2B, s0  }
0xc0: {  	[sflag:s0] =	ssyncadd.remote.s32 $0x1  }
0xc1: {  	_ =	sfence.sel $0xFFFF  }
0xc2: {  	[dreg:$0x0] =	wrdreg $0xFFFFFFFF;
	(pc) =	sbr.abs _section_cstart, $3  }
0xc3: {  	[dreg:$0x1] =	wrdreg $0xFFFFFFFF  }
0xc4: {  	_ =	task.clear_ibuf [dreg:s9], $0x2FFFF;
	_ =	strace $0x9FFFFFFF  }
0xc5: {  	(tm) =	ssettm $0x7FFFFFFF  }
tec
execute0_lowered:
.L_overlay_start_1:
0x0: {  	(tag) =	ssettag $0x1  }
0x1: {  	v0 =	vimm.s32 $0x4380  }
0x2: {  	vm14 =	vcmask $0x300;
	vm13 =	vcmask $0x704;
	vm12 =	vcmask $0xB08  }
0x3: {  	vm11 =	vcmask $0xF0C;
	vm10 =	vcmask $0x1310;
	vm9 =	vcmask $0x1714  }
0x4: {  	vm8 =	vcmask $0x1B18;
	vm7 =	vcmask $0x1F1C;
	vm6 =	vcmask $0x2320  }
0x5: {  	vm5 =	vcmask $0x2724;
	vm4 =	vcmask $0x2B28;
	vm3 =	vcmask $0x2F2C  }
0x6: {  	vm2 =	vcmask $0x3330;
	vm1 =	vcmask $0x3734;
	vm0 =	vcmask $0x3B38  }
0x7: {  	v1 =	vimm.s32 $0xC380;
	v2 =	vimm.s32 $0x1380;
	v3 =	vimm.s32 $0x3380  }
0x8: {  	v4 =	vimm.s32 $0x4780;
	v5 =	vimm.s32 $0xC780;
	v6 =	vimm.s32 $0x4B80  }
0x9: {  	v7 =	vimm.s32 $0xCB80;
	v8 =	vimm.s32 $0x4F80;
	v9 =	vimm.s32 $0xCF80  }
0xa: {  	v10 =	vimm.s32 $0x5380;
	v11 =	vimm.s32 $0xD380;
	v12 =	vimm.s32 $0x5780  }
0xb: {  	v13 =	vimm.s32 $0xD780;
	v14 =	vimm.s32 $0x5B80;
	v15 =	vimm.s32 $0xDB80  }
0xc: {  	v16 =	vimm.s32 $0x5F80;
	v17 =	vimm.s32 $0xDF80;
	v18 =	vimm.s32 $0x6380  }
0xd: {  	v19 =	vimm.s32 $0xE380;
	v20 =	vimm.s32 $0x6780;
	v21 =	vimm.s32 $0xE780  }
0xe: {  	v22 =	vimm.s32 $0x6B80;
	v23 =	vimm.s32 $0xEB80;
	v24 =	vimm.s32 $0x6F80  }
0xf: {  	v25 =	vimm.s32 $0xEF80;
	v26 =	vimm.s32 $0x7380;
	v27 =	vimm.s32 $0xF380  }
0x10: {  	v28 =	vimm.s32 $0x7780;
	v29 =	vimm.s32 $0xF780;
	v30 =	vimm.s32 $0x7B80  }
0x11: {  	v31 =	vimm.s32 $0xFB80;
	v32 =	vimm.s32 $0x7F80;
	v33 =	vimm.s32 $0xFF80  }
0x12: {  	v0 =	vsel vm14, $0x0, v0;
	v1 =	vsel vm14, $0x8000, v1;
	v2 =	vsel vm14, $0x0, v2  }
0x13: {  	v3 =	vsel vm14, $0x2000, v3;
	v4 =	vsel vm14, $0x400, v4;
	v5 =	vsel vm14, $0x8400, v5  }
0x14: {  	v6 =	vsel vm14, $0x800, v6;
	v7 =	vsel vm14, $0x8800, v7;
	v8 =	vsel vm14, $0xC00, v8  }
0x15: {  	v9 =	vsel vm14, $0x8C00, v9;
	v10 =	vsel vm14, $0x1000, v10;
	v11 =	vsel vm14, $0x9000, v11  }
0x16: {  	v12 =	vsel vm14, $0x1400, v12;
	v13 =	vsel vm14, $0x9400, v13;
	v14 =	vsel vm14, $0x1800, v14  }
0x17: {  	v15 =	vsel vm14, $0x9800, v15;
	v16 =	vsel vm14, $0x1C00, v16;
	v17 =	vsel vm14, $0x9C00, v17  }
0x18: {  	v18 =	vsel vm14, $0x2000, v18;
	v19 =	vsel vm14, $0xA000, v19;
	v20 =	vsel vm14, $0x2400, v20  }
0x19: {  	v21 =	vsel vm14, $0xA400, v21;
	v22 =	vsel vm14, $0x2800, v22;
	v23 =	vsel vm14, $0xA800, v23  }
0x1a: {  	v24 =	vsel vm14, $0x2C00, v24;
	v25 =	vsel vm14, $0xAC00, v25;
	v26 =	vsel vm14, $0x3000, v26  }
0x1b: {  	v27 =	vsel vm14, $0xB000, v27;
	v28 =	vsel vm14, $0x3400, v28;
	v29 =	vsel vm14, $0xB400, v29  }
0x1c: {  	v30 =	vsel vm14, $0x3800, v30;
	v31 =	vsel vm14, $0xB800, v31;
	v32 =	vsel vm14, $0x3C00, v32  }
0x1d: {  	v33 =	vsel vm14, $0xBC00, v33;
	v0 =	vsel vm13, $0x80, v0;
	v1 =	vsel vm13, $0x8080, v1  }
0x1e: {  	v2 =	vsel vm13, $0x80, v2;
	v3 =	vsel vm13, $0x2080, v3;
	v4 =	vsel vm13, $0x480, v4  }
0x1f: {  	v5 =	vsel vm13, $0x8480, v5;
	v6 =	vsel vm13, $0x880, v6;
	v7 =	vsel vm13, $0x8880, v7  }
0x20: {  	v8 =	vsel vm13, $0xC80, v8;
	v9 =	vsel vm13, $0x8C80, v9;
	v10 =	vsel vm13, $0x1080, v10  }
0x21: {  	v11 =	vsel vm13, $0x9080, v11;
	v12 =	vsel vm13, $0x1480, v12;
	v13 =	vsel vm13, $0x9480, v13  }
0x22: {  	v14 =	vsel vm13, $0x1880, v14;
	v15 =	vsel vm13, $0x9880, v15;
	v16 =	vsel vm13, $0x1C80, v16  }
0x23: {  	v17 =	vsel vm13, $0x9C80, v17;
	v18 =	vsel vm13, $0x2080, v18;
	v19 =	vsel vm13, $0xA080, v19  }
0x24: {  	v20 =	vsel vm13, $0x2480, v20;
	v21 =	vsel vm13, $0xA480, v21;
	v22 =	vsel vm13, $0x2880, v22  }
0x25: {  	v23 =	vsel vm13, $0xA880, v23;
	v24 =	vsel vm13, $0x2C80, v24;
	v25 =	vsel vm13, $0xAC80, v25  }
0x26: {  	v26 =	vsel vm13, $0x3080, v26;
	v27 =	vsel vm13, $0xB080, v27;
	v28 =	vsel vm13, $0x3480, v28  }
0x27: {  	v29 =	vsel vm13, $0xB480, v29;
	v30 =	vsel vm13, $0x3880, v30;
	v31 =	vsel vm13, $0xB880, v31  }
0x28: {  	v32 =	vsel vm13, $0x3C80, v32;
	v33 =	vsel vm13, $0xBC80, v33;
	v0 =	vsel vm12, $0x100, v0  }
0x29: {  	v1 =	vsel vm12, $0x8100, v1;
	v2 =	vsel vm12, $0x100, v2;
	v3 =	vsel vm12, $0x2100, v3  }
0x2a: {  	v4 =	vsel vm12, $0x500, v4;
	v5 =	vsel vm12, $0x8500, v5;
	v6 =	vsel vm12, $0x900, v6  }
0x2b: {  	v7 =	vsel vm12, $0x8900, v7;
	v8 =	vsel vm12, $0xD00, v8;
	v9 =	vsel vm12, $0x8D00, v9  }
0x2c: {  	v10 =	vsel vm12, $0x1100, v10;
	v11 =	vsel vm12, $0x9100, v11;
	v12 =	vsel vm12, $0x1500, v12  }
0x2d: {  	v13 =	vsel vm12, $0x9500, v13;
	v14 =	vsel vm12, $0x1900, v14;
	v15 =	vsel vm12, $0x9900, v15  }
0x2e: {  	v16 =	vsel vm12, $0x1D00, v16;
	v17 =	vsel vm12, $0x9D00, v17;
	v18 =	vsel vm12, $0x2100, v18  }
0x2f: {  	v19 =	vsel vm12, $0xA100, v19;
	v20 =	vsel vm12, $0x2500, v20;
	v21 =	vsel vm12, $0xA500, v21  }
0x30: {  	v22 =	vsel vm12, $0x2900, v22;
	v23 =	vsel vm12, $0xA900, v23;
	v24 =	vsel vm12, $0x2D00, v24  }
0x31: {  	v25 =	vsel vm12, $0xAD00, v25;
	v26 =	vsel vm12, $0x3100, v26;
	v27 =	vsel vm12, $0xB100, v27  }
0x32: {  	v28 =	vsel vm12, $0x3500, v28;
	v29 =	vsel vm12, $0xB500, v29;
	v30 =	vsel vm12, $0x3900, v30  }
0x33: {  	v31 =	vsel vm12, $0xB900, v31;
	v32 =	vsel vm12, $0x3D00, v32;
	v33 =	vsel vm12, $0xBD00, v33  }
0x34: {  	v0 =	vsel vm11, $0x180, v0;
	v1 =	vsel vm11, $0x8180, v1;
	v2 =	vsel vm11, $0x180, v2  }
0x35: {  	v3 =	vsel vm11, $0x2180, v3;
	v4 =	vsel vm11, $0x580, v4;
	v5 =	vsel vm11, $0x8580, v5  }
0x36: {  	v6 =	vsel vm11, $0x980, v6;
	v7 =	vsel vm11, $0x8980, v7;
	v8 =	vsel vm11, $0xD80, v8  }
0x37: {  	v9 =	vsel vm11, $0x8D80, v9;
	v10 =	vsel vm11, $0x1180, v10;
	v11 =	vsel vm11, $0x9180, v11  }
0x38: {  	v12 =	vsel vm11, $0x1580, v12;
	v13 =	vsel vm11, $0x9580, v13;
	v14 =	vsel vm11, $0x1980, v14  }
0x39: {  	v15 =	vsel vm11, $0x9980, v15;
	v16 =	vsel vm11, $0x1D80, v16;
	v17 =	vsel vm11, $0x9D80, v17  }
0x3a: {  	v18 =	vsel vm11, $0x2180, v18;
	v19 =	vsel vm11, $0xA180, v19;
	v20 =	vsel vm11, $0x2580, v20  }
0x3b: {  	v21 =	vsel vm11, $0xA580, v21;
	v22 =	vsel vm11, $0x2980, v22;
	v23 =	vsel vm11, $0xA980, v23  }
0x3c: {  	v24 =	vsel vm11, $0x2D80, v24;
	v25 =	vsel vm11, $0xAD80, v25;
	v26 =	vsel vm11, $0x3180, v26  }
0x3d: {  	v27 =	vsel vm11, $0xB180, v27;
	v28 =	vsel vm11, $0x3580, v28;
	v29 =	vsel vm11, $0xB580, v29  }
0x3e: {  	v30 =	vsel vm11, $0x3980, v30;
	v31 =	vsel vm11, $0xB980, v31;
	v32 =	vsel vm11, $0x3D80, v32  }
0x3f: {  	v33 =	vsel vm11, $0xBD80, v33;
	v0 =	vsel vm10, $0x200, v0;
	v1 =	vsel vm10, $0x8200, v1  }
0x40: {  	v2 =	vsel vm10, $0x200, v2;
	v3 =	vsel vm10, $0x2200, v3;
	v4 =	vsel vm10, $0x600, v4  }
0x41: {  	v5 =	vsel vm10, $0x8600, v5;
	v6 =	vsel vm10, $0xA00, v6;
	v7 =	vsel vm10, $0x8A00, v7  }
0x42: {  	v8 =	vsel vm10, $0xE00, v8;
	v9 =	vsel vm10, $0x8E00, v9;
	v10 =	vsel vm10, $0x1200, v10  }
0x43: {  	v11 =	vsel vm10, $0x9200, v11;
	v12 =	vsel vm10, $0x1600, v12;
	v13 =	vsel vm10, $0x9600, v13  }
0x44: {  	v14 =	vsel vm10, $0x1A00, v14;
	v15 =	vsel vm10, $0x9A00, v15;
	v16 =	vsel vm10, $0x1E00, v16  }
0x45: {  	v17 =	vsel vm10, $0x9E00, v17;
	v18 =	vsel vm10, $0x2200, v18;
	v19 =	vsel vm10, $0xA200, v19  }
0x46: {  	v20 =	vsel vm10, $0x2600, v20;
	v21 =	vsel vm10, $0xA600, v21;
	v22 =	vsel vm10, $0x2A00, v22  }
0x47: {  	v23 =	vsel vm10, $0xAA00, v23;
	v24 =	vsel vm10, $0x2E00, v24;
	v25 =	vsel vm10, $0xAE00, v25  }
0x48: {  	v26 =	vsel vm10, $0x3200, v26;
	v27 =	vsel vm10, $0xB200, v27;
	v28 =	vsel vm10, $0x3600, v28  }
0x49: {  	v29 =	vsel vm10, $0xB600, v29;
	v30 =	vsel vm10, $0x3A00, v30;
	v31 =	vsel vm10, $0xBA00, v31  }
0x4a: {  	v32 =	vsel vm10, $0x3E00, v32;
	v33 =	vsel vm10, $0xBE00, v33;
	v0 =	vsel vm9, $0x280, v0  }
0x4b: {  	v1 =	vsel vm9, $0x8280, v1;
	v2 =	vsel vm9, $0x280, v2;
	v3 =	vsel vm9, $0x2280, v3  }
0x4c: {  	v4 =	vsel vm9, $0x680, v4;
	v5 =	vsel vm9, $0x8680, v5;
	v6 =	vsel vm9, $0xA80, v6  }
0x4d: {  	v7 =	vsel vm9, $0x8A80, v7;
	v8 =	vsel vm9, $0xE80, v8;
	v9 =	vsel vm9, $0x8E80, v9  }
0x4e: {  	v10 =	vsel vm9, $0x1280, v10;
	v11 =	vsel vm9, $0x9280, v11;
	v12 =	vsel vm9, $0x1680, v12  }
0x4f: {  	v13 =	vsel vm9, $0x9680, v13;
	v14 =	vsel vm9, $0x1A80, v14;
	v15 =	vsel vm9, $0x9A80, v15  }
0x50: {  	v16 =	vsel vm9, $0x1E80, v16;
	v17 =	vsel vm9, $0x9E80, v17;
	v18 =	vsel vm9, $0x2280, v18  }
0x51: {  	v19 =	vsel vm9, $0xA280, v19;
	v20 =	vsel vm9, $0x2680, v20;
	v21 =	vsel vm9, $0xA680, v21  }
0x52: {  	v22 =	vsel vm9, $0x2A80, v22;
	v23 =	vsel vm9, $0xAA80, v23;
	v24 =	vsel vm9, $0x2E80, v24  }
0x53: {  	v25 =	vsel vm9, $0xAE80, v25;
	v26 =	vsel vm9, $0x3280, v26;
	v27 =	vsel vm9, $0xB280, v27  }
0x54: {  	v28 =	vsel vm9, $0x3680, v28;
	v29 =	vsel vm9, $0xB680, v29;
	v30 =	vsel vm9, $0x3A80, v30  }
0x55: {  	v31 =	vsel vm9, $0xBA80, v31;
	v32 =	vsel vm9, $0x3E80, v32;
	v33 =	vsel vm9, $0xBE80, v33  }
0x56: {  	v0 =	vsel vm8, $0x300, v0;
	v1 =	vsel vm8, $0x8300, v1;
	v2 =	vsel vm8, $0x300, v2  }
0x57: {  	v3 =	vsel vm8, $0x2300, v3;
	v4 =	vsel vm8, $0x700, v4;
	v5 =	vsel vm8, $0x8700, v5  }
0x58: {  	v6 =	vsel vm8, $0xB00, v6;
	v7 =	vsel vm8, $0x8B00, v7;
	v8 =	vsel vm8, $0xF00, v8  }
0x59: {  	v9 =	vsel vm8, $0x8F00, v9;
	v10 =	vsel vm8, $0x1300, v10;
	v11 =	vsel vm8, $0x9300, v11  }
0x5a: {  	v12 =	vsel vm8, $0x1700, v12;
	v13 =	vsel vm8, $0x9700, v13;
	v14 =	vsel vm8, $0x1B00, v14  }
0x5b: {  	v15 =	vsel vm8, $0x9B00, v15;
	v16 =	vsel vm8, $0x1F00, v16;
	v17 =	vsel vm8, $0x9F00, v17  }
0x5c: {  	v18 =	vsel vm8, $0x2300, v18;
	v19 =	vsel vm8, $0xA300, v19;
	v20 =	vsel vm8, $0x2700, v20  }
0x5d: {  	v21 =	vsel vm8, $0xA700, v21;
	v22 =	vsel vm8, $0x2B00, v22;
	v23 =	vsel vm8, $0xAB00, v23  }
0x5e: {  	v24 =	vsel vm8, $0x2F00, v24;
	v25 =	vsel vm8, $0xAF00, v25;
	v26 =	vsel vm8, $0x3300, v26  }
0x5f: {  	v27 =	vsel vm8, $0xB300, v27;
	v28 =	vsel vm8, $0x3700, v28;
	v29 =	vsel vm8, $0xB700, v29  }
0x60: {  	v30 =	vsel vm8, $0x3B00, v30;
	v31 =	vsel vm8, $0xBB00, v31;
	v32 =	vsel vm8, $0x3F00, v32  }
0x61: {  	v33 =	vsel vm8, $0xBF00, v33;
	v0 =	vsel vm7, $0x380, v0;
	v1 =	vsel vm7, $0x8380, v1  }
0x62: {  	v2 =	vsel vm7, $0x380, v2;
	v3 =	vsel vm7, $0x2380, v3;
	v4 =	vsel vm7, $0x780, v4  }
0x63: {  	v5 =	vsel vm7, $0x8780, v5;
	v6 =	vsel vm7, $0xB80, v6;
	v7 =	vsel vm7, $0x8B80, v7  }
0x64: {  	v8 =	vsel vm7, $0xF80, v8;
	v9 =	vsel vm7, $0x8F80, v9;
	v10 =	vsel vm7, $0x1380, v10  }
0x65: {  	v11 =	vsel vm7, $0x9380, v11;
	v12 =	vsel vm7, $0x1780, v12;
	v13 =	vsel vm7, $0x9780, v13  }
0x66: {  	v14 =	vsel vm7, $0x1B80, v14;
	v15 =	vsel vm7, $0x9B80, v15;
	v16 =	vsel vm7, $0x1F80, v16  }
0x67: {  	v17 =	vsel vm7, $0x9F80, v17;
	v18 =	vsel vm7, $0x2380, v18;
	v19 =	vsel vm7, $0xA380, v19  }
0x68: {  	v20 =	vsel vm7, $0x2780, v20;
	v21 =	vsel vm7, $0xA780, v21;
	v22 =	vsel vm7, $0x2B80, v22  }
0x69: {  	v23 =	vsel vm7, $0xAB80, v23;
	v24 =	vsel vm7, $0x2F80, v24;
	v25 =	vsel vm7, $0xAF80, v25  }
0x6a: {  	v26 =	vsel vm7, $0x3380, v26;
	v27 =	vsel vm7, $0xB380, v27;
	v28 =	vsel vm7, $0x3780, v28  }
0x6b: {  	v29 =	vsel vm7, $0xB780, v29;
	v30 =	vsel vm7, $0x3B80, v30;
	v31 =	vsel vm7, $0xBB80, v31  }
0x6c: {  	v32 =	vsel vm7, $0x3F80, v32;
	v33 =	vsel vm7, $0xBF80, v33;
	v0 =	vsel vm6, $0x4000, v0  }
0x6d: {  	v1 =	vsel vm6, $0xC000, v1;
	v2 =	vsel vm6, $0x1000, v2;
	v3 =	vsel vm6, $0x3000, v3  }
0x6e: {  	v4 =	vsel vm6, $0x4400, v4;
	v5 =	vsel vm6, $0xC400, v5;
	v6 =	vsel vm6, $0x4800, v6  }
0x6f: {  	v7 =	vsel vm6, $0xC800, v7;
	v8 =	vsel vm6, $0x4C00, v8;
	v9 =	vsel vm6, $0xCC00, v9  }
0x70: {  	v10 =	vsel vm6, $0x5000, v10;
	v11 =	vsel vm6, $0xD000, v11;
	v12 =	vsel vm6, $0x5400, v12  }
0x71: {  	v13 =	vsel vm6, $0xD400, v13;
	v14 =	vsel vm6, $0x5800, v14;
	v15 =	vsel vm6, $0xD800, v15  }
0x72: {  	v16 =	vsel vm6, $0x5C00, v16;
	v17 =	vsel vm6, $0xDC00, v17;
	v18 =	vsel vm6, $0x6000, v18  }
0x73: {  	v19 =	vsel vm6, $0xE000, v19;
	v20 =	vsel vm6, $0x6400, v20;
	v21 =	vsel vm6, $0xE400, v21  }
0x74: {  	v22 =	vsel vm6, $0x6800, v22;
	v23 =	vsel vm6, $0xE800, v23;
	v24 =	vsel vm6, $0x6C00, v24  }
0x75: {  	v25 =	vsel vm6, $0xEC00, v25;
	v26 =	vsel vm6, $0x7000, v26;
	v27 =	vsel vm6, $0xF000, v27  }
0x76: {  	v28 =	vsel vm6, $0x7400, v28;
	v29 =	vsel vm6, $0xF400, v29;
	v30 =	vsel vm6, $0x7800, v30  }
0x77: {  	s4 =	rddreg [dreg:$0x0];
	v31 =	vsel vm6, $0xF800, v31;
	v32 =	vsel vm6, $0x7C00, v32;
	v33 =	vsel vm6, $0xFC00, v33  }
0x78: {  	s0 =	rddreg [dreg:$0x1];
	v0 =	vsel vm5, $0x4080, v0;
	v1 =	vsel vm5, $0xC080, v1;
	v2 =	vsel vm5, $0x1080, v2  }
0x79: {  	s5 =	rddreg [dreg:$0x2];
	s2 =	simm.s32 $0x0;
	v3 =	vsel vm5, $0x3080, v3;
	v4 =	vsel vm5, $0x4480, v4;
	v5 =	vsel vm5, $0xC480, v5  }
0x7a: {  	s3 =	simm.s32 $0x4200;
	[smem:$0x7FF] =	sst s2;
	v6 =	vsel vm5, $0x4880, v6;
	v7 =	vsel vm5, $0xC880, v7;
	v8 =	vsel vm5, $0x4C80, v8  }
0x7b: {  	s21 =	simm.s32 $0x8200;
	_ =	strace $0x80000047;
	[dreg:$0x4] =	wrdreg s3;
	v9 =	vsel vm5, $0xCC80, v9;
	v10 =	vsel vm5, $0x5080, v10;
	v11 =	vsel vm5, $0xD080, v11  }
0x7c: {  	s22 =	simm.s32 $0xC200;
	[dreg:$0x5] =	wrdreg s21;
	v12 =	vsel vm5, $0x5480, v12;
	v13 =	vsel vm5, $0xD480, v13;
	v14 =	vsel vm5, $0x5880, v14  }
0x7d: {  	s23 =	simm.s32 $0x600;
	[dreg:$0x6] =	wrdreg s22;
	v15 =	vsel vm5, $0xD880, v15;
	v16 =	vsel vm5, $0x5C80, v16;
	v17 =	vsel vm5, $0xDC80, v17  }
0x7e: {  	s24 =	simm.s32 $0x4600;
	[dreg:$0x7] =	wrdreg s23;
	v18 =	vsel vm5, $0x6080, v18;
	v19 =	vsel vm5, $0xE080, v19;
	v20 =	vsel vm5, $0x6480, v20  }
0x7f: {  	s25 =	simm.s32 $0x8600;
	[dreg:$0x8] =	wrdreg s24;
	v21 =	vsel vm5, $0xE480, v21;
	v22 =	vsel vm5, $0x6880, v22;
	v23 =	vsel vm5, $0xE880, v23  }
0x80: {  	s26 =	simm.s32 $0xC600;
	[dreg:$0x9] =	wrdreg s25;
	v24 =	vsel vm5, $0x6C80, v24;
	v25 =	vsel vm5, $0xEC80, v25;
	v26 =	vsel vm5, $0x7080, v26  }
0x81: {  	s28 =	simm.s32 $0xA00;
	[dreg:$0xa] =	wrdreg s26;
	v27 =	vsel vm5, $0xF080, v27;
	v28 =	vsel vm5, $0x7480, v28;
	v29 =	vsel vm5, $0xF480, v29  }
0x82: {  	s29 =	simm.s32 $0x4A00;
	[dreg:$0xb] =	wrdreg s28;
	v30 =	vsel vm5, $0x7880, v30;
	v31 =	vsel vm5, $0xF880, v31;
	v32 =	vsel vm5, $0x7C80, v32  }
0x83: {  	s30 =	simm.s32 $0x8A00;
	[dreg:$0xc] =	wrdreg s29;
	v33 =	vsel vm5, $0xFC80, v33;
	v0 =	vsel vm4, $0x4100, v0;
	v1 =	vsel vm4, $0xC100, v1  }
0x84: {  	s31 =	simm.s32 $0xCA00;
	[dreg:$0xd] =	wrdreg s30;
	v2 =	vsel vm4, $0x1100, v2;
	v3 =	vsel vm4, $0x3100, v3;
	v4 =	vsel vm4, $0x4500, v4  }
0x85: {  	s1 =	simm.s32 $0xE00;
	[dreg:$0xe] =	wrdreg s31;
	v5 =	vsel vm4, $0xC500, v5;
	v6 =	vsel vm4, $0x4900, v6;
	v7 =	vsel vm4, $0xC900, v7  }
0x86: {  	s6 =	simm.s32 $0x4E00;
	[dreg:$0xf] =	wrdreg s1;
	v8 =	vsel vm4, $0x4D00, v8;
	v9 =	vsel vm4, $0xCD00, v9;
	v10 =	vsel vm4, $0x5100, v10  }
0x87: {  	s7 =	simm.s32 $0x8E00;
	[dreg:$0x10] =	wrdreg s6;
	v11 =	vsel vm4, $0xD100, v11;
	v12 =	vsel vm4, $0x5500, v12;
	v13 =	vsel vm4, $0xD500, v13  }
0x88: {  	s8 =	simm.s32 $0xCE00;
	[dreg:$0x11] =	wrdreg s7;
	v14 =	vsel vm4, $0x5900, v14;
	v15 =	vsel vm4, $0xD900, v15;
	v16 =	vsel vm4, $0x5D00, v16  }
0x89: {  	s9 =	simm.s32 $0x1200;
	[dreg:$0x12] =	wrdreg s8;
	v17 =	vsel vm4, $0xDD00, v17;
	v18 =	vsel vm4, $0x6100, v18;
	v19 =	vsel vm4, $0xE100, v19  }
0x8a: {  	s10 =	simm.s32 $0x5200;
	[dreg:$0x13] =	wrdreg s9;
	v20 =	vsel vm4, $0x6500, v20;
	v21 =	vsel vm4, $0xE500, v21;
	v22 =	vsel vm4, $0x6900, v22  }
0x8b: {  	s11 =	simm.s32 $0x9200;
	[dreg:$0x14] =	wrdreg s10;
	v23 =	vsel vm4, $0xE900, v23;
	v24 =	vsel vm4, $0x6D00, v24;
	v25 =	vsel vm4, $0xED00, v25  }
0x8c: {  	s12 =	simm.s32 $0xD200;
	[dreg:$0x15] =	wrdreg s11;
	v26 =	vsel vm4, $0x7100, v26;
	v27 =	vsel vm4, $0xF100, v27;
	v28 =	vsel vm4, $0x7500, v28  }
0x8d: {  	s13 =	simm.s32 $0x1600;
	[dreg:$0x16] =	wrdreg s12;
	v29 =	vsel vm4, $0xF500, v29;
	v30 =	vsel vm4, $0x7900, v30;
	v31 =	vsel vm4, $0xF900, v31  }
0x8e: {  	s14 =	simm.s32 $0x5600;
	[dreg:$0x17] =	wrdreg s13;
	v32 =	vsel vm4, $0x7D00, v32;
	v33 =	vsel vm4, $0xFD00, v33;
	v0 =	vsel vm3, $0x4180, v0  }
0x8f: {  	s15 =	simm.s32 $0x9600;
	[dreg:$0x18] =	wrdreg s14;
	v1 =	vsel vm3, $0xC180, v1;
	v2 =	vsel vm3, $0x1180, v2;
	v3 =	vsel vm3, $0x3180, v3  }
0x90: {  	s16 =	simm.s32 $0xD600;
	[dreg:$0x19] =	wrdreg s15;
	v4 =	vsel vm3, $0x4580, v4;
	v5 =	vsel vm3, $0xC580, v5;
	v6 =	vsel vm3, $0x4980, v6  }
0x91: {  	s17 =	simm.s32 $0x1A00;
	[dreg:$0x1a] =	wrdreg s16;
	v7 =	vsel vm3, $0xC980, v7;
	v8 =	vsel vm3, $0x4D80, v8;
	v9 =	vsel vm3, $0xCD80, v9  }
0x92: {  	s18 =	simm.s32 $0x5A00;
	[dreg:$0x1b] =	wrdreg s17;
	v10 =	vsel vm3, $0x5180, v10;
	v11 =	vsel vm3, $0xD180, v11;
	v12 =	vsel vm3, $0x5580, v12  }
0x93: {  	s19 =	simm.s32 $0x9A00;
	[dreg:$0x1c] =	wrdreg s18;
	v13 =	vsel vm3, $0xD580, v13;
	v14 =	vsel vm3, $0x5980, v14;
	v15 =	vsel vm3, $0xD980, v15  }
0x94: {  	s20 =	simm.s32 $0xDA00;
	[dreg:$0x1d] =	wrdreg s19;
	v16 =	vsel vm3, $0x5D80, v16;
	v17 =	vsel vm3, $0xDD80, v17;
	v18 =	vsel vm3, $0x6180, v18  }
0x95: {  	[dreg:$0x1e] =	wrdreg s20;
	s21 =	simm.s32 $0x1E00;
	v19 =	vsel vm3, $0xE180, v19;
	v20 =	vsel vm3, $0x6580, v20;
	v21 =	vsel vm3, $0xE580, v21  }
0x96: {  	s22 =	simm.s32 $0x5E00;
	[dreg:$0x1f] =	wrdreg s21;
	v22 =	vsel vm3, $0x6980, v22;
	v23 =	vsel vm3, $0xE980, v23;
	v24 =	vsel vm3, $0x6D80, v24  }
0x97: {  	s23 =	simm.s32 $0x9E00;
	[smem:$0x7DB] =	sst s22;
	v25 =	vsel vm3, $0xED80, v25;
	v26 =	vsel vm3, $0x7180, v26;
	v27 =	vsel vm3, $0xF180, v27  }
0x98: {  	s24 =	simm.s32 $0xDE00;
	[smem:$0x7DC] =	sst s23;
	v28 =	vsel vm3, $0x7580, v28;
	v29 =	vsel vm3, $0xF580, v29;
	v30 =	vsel vm3, $0x7980, v30  }
0x99: {  	s25 =	simm.s32 $0x2200;
	[smem:$0x7DD] =	sst s24;
	v31 =	vsel vm3, $0xF980, v31;
	v32 =	vsel vm3, $0x7D80, v32;
	v33 =	vsel vm3, $0xFD80, v33  }
0x9a: {  	s26 =	simm.s32 $0x6200;
	[smem:$0x7DE] =	sst s25;
	v0 =	vsel vm2, $0x4200, v0;
	v1 =	vsel vm2, $0xC200, v1;
	v2 =	vsel vm2, $0x1200, v2  }
0x9b: {  	s28 =	simm.s32 $0xA200;
	[smem:$0x7DF] =	sst s26;
	v3 =	vsel vm2, $0x3200, v3;
	v4 =	vsel vm2, $0x4600, v4;
	v5 =	vsel vm2, $0xC600, v5  }
0x9c: {  	s29 =	simm.s32 $0xE200;
	[smem:$0x7E0] =	sst s28;
	v6 =	vsel vm2, $0x4A00, v6;
	v7 =	vsel vm2, $0xCA00, v7;
	v8 =	vsel vm2, $0x4E00, v8  }
0x9d: {  	s30 =	simm.s32 $0x2600;
	[smem:$0x7E1] =	sst s29;
	v9 =	vsel vm2, $0xCE00, v9;
	v10 =	vsel vm2, $0x5200, v10;
	v11 =	vsel vm2, $0xD200, v11  }
0x9e: {  	s31 =	simm.s32 $0x6600;
	[smem:$0x7E2] =	sst s30;
	v12 =	vsel vm2, $0x5600, v12;
	v13 =	vsel vm2, $0xD600, v13;
	v14 =	vsel vm2, $0x5A00, v14  }
0x9f: {  	s1 =	simm.s32 $0xA600;
	[smem:$0x7E3] =	sst s31;
	v15 =	vsel vm2, $0xDA00, v15;
	v16 =	vsel vm2, $0x5E00, v16;
	v17 =	vsel vm2, $0xDE00, v17  }
0xa0: {  	s6 =	simm.s32 $0xE600;
	[smem:$0x7E4] =	sst s1;
	v18 =	vsel vm2, $0x6200, v18;
	v19 =	vsel vm2, $0xE200, v19;
	v20 =	vsel vm2, $0x6600, v20  }
0xa1: {  	s7 =	simm.s32 $0x2A00;
	[smem:$0x7E5] =	sst s6;
	v21 =	vsel vm2, $0xE600, v21;
	v22 =	vsel vm2, $0x6A00, v22;
	v23 =	vsel vm2, $0xEA00, v23  }
0xa2: {  	s8 =	simm.s32 $0x6A00;
	[smem:$0x7E6] =	sst s7;
	v24 =	vsel vm2, $0x6E00, v24;
	v25 =	vsel vm2, $0xEE00, v25;
	v26 =	vsel vm2, $0x7200, v26  }
0xa3: {  	s9 =	simm.s32 $0xAA00;
	[smem:$0x7E7] =	sst s8;
	v27 =	vsel vm2, $0xF200, v27;
	v28 =	vsel vm2, $0x7600, v28;
	v29 =	vsel vm2, $0xF600, v29  }
0xa4: {  	s10 =	simm.s32 $0xEA00;
	[smem:$0x7E8] =	sst s9;
	v30 =	vsel vm2, $0x7A00, v30;
	v31 =	vsel vm2, $0xFA00, v31;
	v32 =	vsel vm2, $0x7E00, v32  }
0xa5: {  	s11 =	simm.s32 $0x2E00;
	[smem:$0x7E9] =	sst s10;
	v33 =	vsel vm2, $0xFE00, v33;
	v0 =	vsel vm1, $0x4280, v0;
	v1 =	vsel vm1, $0xC280, v1  }
0xa6: {  	s12 =	simm.s32 $0x6E00;
	[smem:$0x7EA] =	sst s11;
	v2 =	vsel vm1, $0x1280, v2;
	v3 =	vsel vm1, $0x3280, v3;
	v4 =	vsel vm1, $0x4680, v4  }
0xa7: {  	s13 =	simm.s32 $0xAE00;
	[smem:$0x7EB] =	sst s12;
	v5 =	vsel vm1, $0xC680, v5;
	v6 =	vsel vm1, $0x4A80, v6;
	v7 =	vsel vm1, $0xCA80, v7  }
0xa8: {  	s14 =	simm.s32 $0xEE00;
	[smem:$0x7EC] =	sst s13;
	v8 =	vsel vm1, $0x4E80, v8;
	v9 =	vsel vm1, $0xCE80, v9;
	v10 =	vsel vm1, $0x5280, v10  }
0xa9: {  	s15 =	simm.s32 $0x3200;
	[smem:$0x7ED] =	sst s14;
	v11 =	vsel vm1, $0xD280, v11;
	v12 =	vsel vm1, $0x5680, v12;
	v13 =	vsel vm1, $0xD680, v13  }
0xaa: {  	s16 =	simm.s32 $0xB200;
	[smem:$0x7EE] =	sst s15;
	v14 =	vsel vm1, $0x5A80, v14;
	v15 =	vsel vm1, $0xDA80, v15;
	v16 =	vsel vm1, $0x5E80, v16  }
0xab: {  	s17 =	simm.s32 $0xF200;
	[smem:$0x7F0] =	sst s16;
	v17 =	vsel vm1, $0xDE80, v17;
	v18 =	vsel vm1, $0x6280, v18;
	v19 =	vsel vm1, $0xE280, v19  }
0xac: {  	s18 =	simm.s32 $0x3600;
	[smem:$0x7F1] =	sst s17;
	v20 =	vsel vm1, $0x6680, v20;
	v21 =	vsel vm1, $0xE680, v21;
	v22 =	vsel vm1, $0x6A80, v22  }
0xad: {  	s3 =	stileid.u32;
	s19 =	simm.s32 $0x7600;
	[smem:$0x7F2] =	sst s18;
	v23 =	vsel vm1, $0xEA80, v23;
	v24 =	vsel vm1, $0x6E80, v24;
	v25 =	vsel vm1, $0xEE80, v25  }
0xae: {  	s20 =	simm.s32 $0xB600;
	s6 =	srdreg.scid;
	[smem:$0x7F3] =	sst s19;
	v26 =	vsel vm1, $0x7280, v26;
	v27 =	vsel vm1, $0xF280, v27;
	v28 =	vsel vm1, $0x7680, v28  }
0xaf: {  	s7 =	simm.s32 $0x7200;
	s21 =	sshll.u32 s3, $0xA;
	[smem:$0x7F4] =	sst s20;
	v29 =	vsel vm1, $0xF680, v29;
	v30 =	vsel vm1, $0x7A80, v30;
	v31 =	vsel vm1, $0xFA80, v31  }
0xb0: {  	s22 =	simm.s32 $0xF600;
	s23 =	simm.s32 $0x3A00;
	[smem:$0x7EF] =	sst s7;
	v32 =	vsel vm1, $0x7E80, v32;
	v33 =	vsel vm1, $0xFE80, v33;
	v0 =	vsel vm0, $0x4300, v0  }
0xb1: {  	s24 =	simm.s32 $0x7A00;
	s25 =	simm.s32 $0xBA00;
	[smem:$0x7F5] =	sst s22;
	v1 =	vsel vm0, $0xC300, v1;
	v2 =	vsel vm0, $0x1300, v2;
	v3 =	vsel vm0, $0x3300, v3  }
0xb2: {  	s26 =	simm.s32 $0xFA00;
	s28 =	simm.s32 $0x3E00;
	[smem:$0x7F6] =	sst s23;
	v4 =	vsel vm0, $0x4700, v4;
	v5 =	vsel vm0, $0xC700, v5;
	v6 =	vsel vm0, $0x4B00, v6  }
0xb3: {  	s29 =	simm.s32 $0x7E00;
	s30 =	simm.s32 $0xBE00;
	[smem:$0x7F7] =	sst s24;
	v7 =	vsel vm0, $0xCB00, v7;
	v8 =	vsel vm0, $0x4F00, v8;
	v9 =	vsel vm0, $0xCF00, v9  }
0xb4: {  	s31 =	simm.s32 $0xFE00;
	s10 =	simm.s32 $0x10200;
	[smem:$0x7F8] =	sst s25;
	v10 =	vsel vm0, $0x5300, v10;
	v11 =	vsel vm0, $0xD300, v11;
	v12 =	vsel vm0, $0x5700, v12  }
0xb5: {  	s11 =	simm.s32 $0x1000;
	s12 =	simm.s32 $0x20000;
	[smem:$0x7F9] =	sst s26;
	v13 =	vsel vm0, $0xD700, v13;
	v14 =	vsel vm0, $0x5B00, v14;
	v15 =	vsel vm0, $0xDB00, v15  }
0xb6: {  	s13 =	simm.s32 $0x0;
	s6 =	sand.u32 $0x1, s6;
	[smem:$0x7FA] =	sst s28;
	v16 =	vsel vm0, $0x5F00, v16;
	v17 =	vsel vm0, $0xDF00, v17;
	v18 =	vsel vm0, $0x6300, v18  }
0xb7: {  	s7 =	simm.s32 $0x2;
	s8 =	ssub.s32 $0x2, s6;
	s6 =	sshll.u32 s6, $0x9;
	v19 =	vsel vm0, $0xE300, v19;
	v20 =	vsel vm0, $0x6700, v20;
	v21 =	vsel vm0, $0xE700, v21  }
0xb8: {  	[smem:$0x7FB] =	sst s29;
	s9 =	sshrl.u32 s8, $0x1;
	s6 =	sor.u32 s6, s21;
	v22 =	vsel vm0, $0x6B00, v22;
	v23 =	vsel vm0, $0xEB00, v23;
	v24 =	vsel vm0, $0x6F00, v24  }
0xb9: {  	[smem:$0x7FC] =	sst s30;
	s8 =	ssub.s32 s8, s9;
	s9 =	sshrl.u32 s6, $0x3;
	v25 =	vsel vm0, $0xEF00, v25;
	v26 =	vsel vm0, $0x7300, v26;
	v27 =	vsel vm0, $0xF300, v27  }
0xba: {  	[smem:$0x7FD] =	sst s31;
	s5 =	sadd.s32 s5, s6;
	s4 =	sadd.s32 s4, s9;
	v28 =	vsel vm0, $0x7700, v28;
	v29 =	vsel vm0, $0xF700, v29;
	v30 =	vsel vm0, $0x7B00, v30  }
0xbb: {  	s6 =	smax.u32 s8, $0x1;
	s8 =	simm.s32 $0x200;
	s9 =	simm.s32 $0x1;
	v31 =	vsel vm0, $0xFB00, v31;
	v32 =	vsel vm0, $0x7F00, v32;
	v33 =	vsel vm0, $0xFF00, v33  }
.LBB2_1:
0xbc: {  	[tilespmem:s2], [sflag:$0x2] =	stream.linear.gather [hbm4b:s4+s2], $0x200, $0x38;
	[tilespmem:$0x14200] =	vst v63  }
0xbd: {  	_ =	swait.ge [sflag:s7], $0x200  }
0xbe: {  	[sflag:s7] =	ssyncset.done $0x0  }
0xbf: {  	[sflag:s7] =	ssyncadd.s32 $0xFFFFFE00  }
0xc0: {  	v34 =	vld [tilespmem:s2+$0x0];
	_ =	sdelay $0x4  }
0xc1: {  	(v2sf) =	vpush v34, $0x0;
	_ =	sdelay $0x5  }
0xc2: {  	(v2sf) =	vpush v34, $0x1;
	_ =	sdelay $0x7  }
0xc3: {  	(v2sf) =	vpush v34, $0x2  }
0xc4: {  	s14 =	spop (v2sf)  }
0xc5: {  	s15 =	sand.u32 $0xFFFFF80, s14  }
0xc6: {  	s16 =	rddreg [dreg:$0x4];
	s15 =	sadd.s32 s0, s15  }
0xc7: {  	(v2sf) =	vpush v34, $0x3;
	[tilespmem:s8], [sflag:$0x1] =	stream.linear.gather [hbm4b:s15+s2], $0x400, $0x38;
	[tilespmem:$0x14200] =	vst v63  }
0xc8: {  	s17 =	rddreg [dreg:$0x5];
	s18 =	sadd.s32 $0xF4280, s15  }
0xc9: {  	[tilespmem:s16], [sflag:$0x1] =	stream.linear.gather [hbm4b:s18+s2], $0x400, $0x38;
	[tilespmem:$0x14200] =	vst v63  }
0xca: {  	s19 =	rddreg [dreg:$0x6];
	s31 =	spop (v2sf);
	s1 =	sadd.s32 $0x1E8500, s15  }
0xcb: {  	[tilespmem:s17], [sflag:$0x1] =	stream.linear.gather [hbm4b:s1+s2], $0x400, $0x38;
	[tilespmem:$0x14200] =	vst v63  }
0xcc: {  	s21 =	rddreg [dreg:$0x8];
	s15 =	sadd.s32 $0x2DC780, s15;
	s16 =	sand.u32 $0xFFFFF80, s31  }
0xcd: {  	[tilespmem:s19], [sflag:$0x1] =	stream.linear.gather [hbm4b:s15+s2], $0x400, $0x38;
	[tilespmem:$0x14200] =	vst v63  }
0xce: {  	s18 =	rddreg [dreg:$0x7];
	s20 =	sadd.s32 s0, s16  }
0xcf: {  	(v2sf) =	vpush v34, $0x4;
	[tilespmem:s18], [sflag:$0x1] =	stream.linear.gather [hbm4b:s20+s2], $0x400, $0x38;
	[tilespmem:$0x14200] =	vst v63  }
0xd0: {  	s23 =	rddreg [dreg:$0x9];
	s22 =	sadd.s32 $0xF4280, s20  }
0xd1: {  	[tilespmem:s21], [sflag:$0x1] =	stream.linear.gather [hbm4b:s22+s2], $0x400, $0x38;
	[tilespmem:$0x14200] =	vst v63  }
0xd2: {  	s26 =	rddreg [dreg:$0xa];
	s24 =	spop (v2sf);
	s25 =	sadd.s32 $0x1E8500, s20  }
0xd3: {  	[tilespmem:s23], [sflag:$0x1] =	stream.linear.gather [hbm4b:s25+s2], $0x400, $0x38;
	[tilespmem:$0x14200] =	vst v63  }
0xd4: {  	s28 =	rddreg [dreg:$0xb];
	s16 =	sand.u32 $0xFFFFF80, s24;
	s15 =	sadd.s32 $0x2DC780, s20  }
0xd5: {  	[tilespmem:s26], [sflag:$0x1] =	stream.linear.gather [hbm4b:s15+s2], $0x400, $0x38;
	[tilespmem:$0x14200] =	vst v63  }
0xd6: {  	s30 =	rddreg [dreg:$0xc];
	s29 =	sadd.s32 s0, s16;
	s19 =	spop (v2sf)  }
0xd7: {  	(v2sf) =	vpush v34, $0x5;
	[tilespmem:s28], [sflag:$0x1] =	stream.linear.gather [hbm4b:s29+s2], $0x400, $0x38;
	[tilespmem:$0x14200] =	vst v63  }
0xd8: {  	s24 =	rddreg [dreg:$0x10];
	s31 =	sadd.s32 $0xF4280, s29  }
0xd9: {  	[tilespmem:s30], [sflag:$0x1] =	stream.linear.gather [hbm4b:s31+s2], $0x400, $0x38;
	[tilespmem:$0x14200] =	vst v63  }
0xda: {  	s1 =	rddreg [dreg:$0xd];
	s20 =	sadd.s32 $0x1E8500, s29  }
0xdb: {  	[tilespmem:s1], [sflag:$0x1] =	stream.linear.gather [hbm4b:s20+s2], $0x400, $0x38;
	[tilespmem:$0x14200] =	vst v63  }
0xdc: {  	s21 =	rddreg [dreg:$0xe];
	s16 =	sand.u32 $0xFFFFF80, s19;
	s15 =	sadd.s32 $0x2DC780, s29  }
0xdd: {  	[tilespmem:s21], [sflag:$0x1] =	stream.linear.gather [hbm4b:s15+s2], $0x400, $0x38;
	[tilespmem:$0x14200] =	vst v63  }
0xde: {  	s22 =	rddreg [dreg:$0xf];
	s23 =	sadd.s32 s0, s16;
	s28 =	spop (v2sf)  }
0xdf: {  	(v2sf) =	vpush v34, $0x6;
	[tilespmem:s22], [sflag:$0x1] =	stream.linear.gather [hbm4b:s23+s2], $0x400, $0x38;
	[tilespmem:$0x14200] =	vst v63  }
0xe0: {  	s18 =	rddreg [dreg:$0x14];
	s25 =	sadd.s32 $0xF4280, s23  }
0xe1: {  	[tilespmem:s24], [sflag:$0x1] =	stream.linear.gather [hbm4b:s25+s2], $0x400, $0x38;
	[tilespmem:$0x14200] =	vst v63  }
0xe2: {  	s26 =	rddreg [dreg:$0x11];
	s29 =	sadd.s32 $0x1E8500, s23  }
0xe3: {  	[tilespmem:s26], [sflag:$0x1] =	stream.linear.gather [hbm4b:s29+s2], $0x400, $0x38;
	[tilespmem:$0x14200] =	vst v63  }
0xe4: {  	s16 =	sand.u32 $0xFFFFF80, s28;
	s30 =	rddreg [dreg:$0x12];
	s15 =	sadd.s32 $0x2DC780, s23  }
0xe5: {  	[tilespmem:s30], [sflag:$0x1] =	stream.linear.gather [hbm4b:s15+s2], $0x400, $0x38;
	[tilespmem:$0x14200] =	vst v63  }
0xe6: {  	s31 =	rddreg [dreg:$0x13];
	s1 =	sadd.s32 s0, s16;
	s21 =	spop (v2sf)  }
0xe7: {  	(v2sf) =	vpush v34, $0x7;
	[tilespmem:s31], [sflag:$0x1] =	stream.linear.gather [hbm4b:s1+s2], $0x400, $0x38;
	[tilespmem:$0x14200] =	vst v63  }
0xe8: {  	s20 =	rddreg [dreg:$0x15];
	s19 =	sadd.s32 $0xF4280, s1  }
0xe9: {  	[tilespmem:s18], [sflag:$0x1] =	stream.linear.gather [hbm4b:s19+s2], $0x400, $0x38;
	[tilespmem:$0x14200] =	vst v63  }
0xea: {  	s22 =	sadd.s32 $0x1E8500, s1;
	s23 =	rddreg [dreg:$0x16]  }
0xeb: {  	[tilespmem:s20], [sflag:$0x1] =	stream.linear.gather [hbm4b:s22+s2], $0x400, $0x38;
	[tilespmem:$0x14200] =	vst v63  }
0xec: {  	s24 =	rddreg [dreg:$0x17];
	s16 =	sand.u32 $0xFFFFF80, s21;
	s15 =	sadd.s32 $0x2DC780, s1  }
0xed: {  	[tilespmem:s23], [sflag:$0x1] =	stream.linear.gather [hbm4b:s15+s2], $0x400, $0x38;
	[tilespmem:$0x14200] =	vst v63  }
0xee: {  	s26 =	rddreg [dreg:$0x18];
	s25 =	sadd.s32 s0, s16;
	s30 =	spop (v2sf)  }
0xef: {  	(v2sf) =	vpush v34, $0x8;
	[tilespmem:s24], [sflag:$0x1] =	stream.linear.gather [hbm4b:s25+s2], $0x400, $0x38;
	[tilespmem:$0x14200] =	vst v63  }
0xf0: {  	s29 =	rddreg [dreg:$0x19];
	s28 =	sadd.s32 $0xF4280, s25  }
0xf1: {  	[tilespmem:s26], [sflag:$0x1] =	stream.linear.gather [hbm4b:s28+s2], $0x400, $0x38;
	[tilespmem:$0x14200] =	vst v63  }
0xf2: {  	s21 =	rddreg [dreg:$0x1c];
	s31 =	sadd.s32 $0x1E8500, s25  }
0xf3: {  	[tilespmem:s29], [sflag:$0x1] =	stream.linear.gather [hbm4b:s31+s2], $0x400, $0x38;
	[tilespmem:$0x14200] =	vst v63  }
0xf4: {  	s1 =	rddreg [dreg:$0x1a];
	s16 =	sand.u32 $0xFFFFF80, s30;
	s15 =	sadd.s32 $0x2DC780, s25  }
0xf5: {  	[tilespmem:s1], [sflag:$0x1] =	stream.linear.gather [hbm4b:s15+s2], $0x400, $0x38;
	[tilespmem:$0x14200] =	vst v63  }
0xf6: {  	s18 =	rddreg [dreg:$0x1b];
	s20 =	sadd.s32 s0, s16;
	s24 =	spop (v2sf)  }
0xf7: {  	(v2sf) =	vpush v34, $0x9;
	[tilespmem:s18], [sflag:$0x1] =	stream.linear.gather [hbm4b:s20+s2], $0x400, $0x38;
	[tilespmem:$0x14200] =	vst v63  }
0xf8: {  	s30 =	sld [smem:$0x7DB];
	s22 =	sadd.s32 $0xF4280, s20  }
0xf9: {  	[tilespmem:s21], [sflag:$0x1] =	stream.linear.gather [hbm4b:s22+s2], $0x400, $0x38;
	[tilespmem:$0x14200] =	vst v63  }
0xfa: {  	s23 =	rddreg [dreg:$0x1d];
	s25 =	sadd.s32 $0x1E8500, s20  }
0xfb: {  	[tilespmem:s23], [sflag:$0x1] =	stream.linear.gather [hbm4b:s25+s2], $0x400, $0x38;
	[tilespmem:$0x14200] =	vst v63  }
0xfc: {  	s26 =	rddreg [dreg:$0x1e];
	s16 =	sand.u32 $0xFFFFF80, s24;
	s15 =	sadd.s32 $0x2DC780, s20  }
0xfd: {  	[tilespmem:s26], [sflag:$0x1] =	stream.linear.gather [hbm4b:s15+s2], $0x400, $0x38;
	[tilespmem:$0x14200] =	vst v63  }
0xfe: {  	s28 =	rddreg [dreg:$0x1f];
	s29 =	sadd.s32 s0, s16;
	s19 =	spop (v2sf)  }
0xff: {  	(v2sf) =	vpush v34, $0xA;
	[tilespmem:s28], [sflag:$0x1] =	stream.linear.gather [hbm4b:s29+s2], $0x400, $0x38;
	[tilespmem:$0x14200] =	vst v63  }
0x100: {  	s31 =	sadd.s32 $0xF4280, s29;
	s1 =	sld [smem:$0x7DC];
	s16 =	sand.u32 $0xFFFFF80, s19  }
0x101: {  	[tilespmem:s30], [sflag:$0x1] =	stream.linear.gather [hbm4b:s31+s2], $0x400, $0x38;
	[tilespmem:$0x14200] =	vst v63  }
0x102: {  	s20 =	sadd.s32 $0x1E8500, s29;
	s21 =	sld [smem:$0x7DD]  }
0x103: {  	[tilespmem:s1], [sflag:$0x1] =	stream.linear.gather [hbm4b:s20+s2], $0x400, $0x38;
	[tilespmem:$0x14200] =	vst v63  }
0x104: {  	s22 =	sld [smem:$0x7DE];
	s15 =	sadd.s32 $0x2DC780, s29  }
0x105: {  	[tilespmem:s21], [sflag:$0x1] =	stream.linear.gather [hbm4b:s15+s2], $0x400, $0x38;
	[tilespmem:$0x14200] =	vst v63  }
0x106: {  	s24 =	sld [smem:$0x7DF];
	s23 =	sadd.s32 s0, s16;
	s28 =	spop (v2sf)  }
0x107: {  	(v2sf) =	vpush v34, $0xB;
	[tilespmem:s22], [sflag:$0x1] =	stream.linear.gather [hbm4b:s23+s2], $0x400, $0x38;
	[tilespmem:$0x14200] =	vst v63  }
0x108: {  	s25 =	sadd.s32 $0xF4280, s23;
	s26 =	sld [smem:$0x7E0];
	s29 =	sadd.s32 $0x1E8500, s23  }
0x109: {  	[tilespmem:s24], [sflag:$0x1] =	stream.linear.gather [hbm4b:s25+s2], $0x400, $0x38;
	[tilespmem:$0x14200] =	vst v63  }
0x10a: {  	s30 =	sld [smem:$0x7E1];
	s16 =	sand.u32 $0xFFFFF80, s28  }
0x10b: {  	[tilespmem:s26], [sflag:$0x1] =	stream.linear.gather [hbm4b:s29+s2], $0x400, $0x38;
	[tilespmem:$0x14200] =	vst v63  }
0x10c: {  	s31 =	sld [smem:$0x7E2];
	s15 =	sadd.s32 $0x2DC780, s23  }
0x10d: {  	[tilespmem:s30], [sflag:$0x1] =	stream.linear.gather [hbm4b:s15+s2], $0x400, $0x38;
	[tilespmem:$0x14200] =	vst v63  }
0x10e: {  	s18 =	sld [smem:$0x7E3];
	s1 =	sadd.s32 s0, s16;
	s21 =	spop (v2sf)  }
0x10f: {  	[tilespmem:s31], [sflag:$0x1] =	stream.linear.gather [hbm4b:s1+s2], $0x400, $0x38;
	[tilespmem:$0x14200] =	vst v63  }
0x110: {  	s20 =	sld [smem:$0x7E4];
	s19 =	sadd.s32 $0xF4280, s1;
	s16 =	sand.u32 $0xFFFFF80, s21  }
0x111: {  	(v2sf) =	vpush v34, $0xC;
	[tilespmem:s18], [sflag:$0x1] =	stream.linear.gather [hbm4b:s19+s2], $0x400, $0x38;
	[tilespmem:$0x14200] =	vst v63  }
0x112: {  	s22 =	sadd.s32 $0x1E8500, s1;
	s23 =	sld [smem:$0x7E5]  }
0x113: {  	[tilespmem:s20], [sflag:$0x1] =	stream.linear.gather [hbm4b:s22+s2], $0x400, $0x38;
	[tilespmem:$0x14200] =	vst v63  }
0x114: {  	s24 =	sld [smem:$0x7E6];
	s15 =	sadd.s32 $0x2DC780, s1  }
0x115: {  	[tilespmem:s23], [sflag:$0x1] =	stream.linear.gather [hbm4b:s15+s2], $0x400, $0x38;
	[tilespmem:$0x14200] =	vst v63  }
0x116: {  	s25 =	sadd.s32 s0, s16;
	s26 =	sld [smem:$0x7E7];
	s30 =	spop (v2sf)  }
0x117: {  	(v2sf) =	vpush v34, $0xD;
	[tilespmem:s24], [sflag:$0x1] =	stream.linear.gather [hbm4b:s25+s2], $0x400, $0x38;
	[tilespmem:$0x14200] =	vst v63  }
0x118: {  	s28 =	sadd.s32 $0xF4280, s25;
	s29 =	sld [smem:$0x7E8];
	s31 =	sadd.s32 $0x1E8500, s25  }
0x119: {  	[tilespmem:s26], [sflag:$0x1] =	stream.linear.gather [hbm4b:s28+s2], $0x400, $0x38;
	[tilespmem:$0x14200] =	vst v63  }
0x11a: {  	s1 =	sld [smem:$0x7E9];
	s16 =	sand.u32 $0xFFFFF80, s30  }
0x11b: {  	[tilespmem:s29], [sflag:$0x1] =	stream.linear.gather [hbm4b:s31+s2], $0x400, $0x38;
	[tilespmem:$0x14200] =	vst v63  }
0x11c: {  	s18 =	sld [smem:$0x7EA];
	s20 =	sadd.s32 s0, s16;
	s15 =	sadd.s32 $0x2DC780, s25  }
0x11d: {  	[tilespmem:s1], [sflag:$0x1] =	stream.linear.gather [hbm4b:s15+s2], $0x400, $0x38;
	[tilespmem:$0x14200] =	vst v63  }
0x11e: {  	s21 =	sld [smem:$0x7EB];
	s22 =	sadd.s32 $0xF4280, s20  }
0x11f: {  	[tilespmem:s18], [sflag:$0x1] =	stream.linear.gather [hbm4b:s20+s2], $0x400, $0x38;
	[tilespmem:$0x14200] =	vst v63  }
0x120: {  	s23 =	sld [smem:$0x7EC];
	s24 =	spop (v2sf);
	s25 =	sadd.s32 $0x1E8500, s20  }
0x121: {  	(v2sf) =	vpush v34, $0xE;
	[tilespmem:s21], [sflag:$0x1] =	stream.linear.gather [hbm4b:s22+s2], $0x400, $0x38;
	[tilespmem:$0x14200] =	vst v63  }
0x122: {  	s16 =	sand.u32 $0xFFFFF80, s24;
	s26 =	sld [smem:$0x7ED]  }
0x123: {  	[tilespmem:s23], [sflag:$0x1] =	stream.linear.gather [hbm4b:s25+s2], $0x400, $0x38;
	[tilespmem:$0x14200] =	vst v63  }
0x124: {  	s28 =	sld [smem:$0x7EE];
	s15 =	sadd.s32 $0x2DC780, s20  }
0x125: {  	[tilespmem:s26], [sflag:$0x1] =	stream.linear.gather [hbm4b:s15+s2], $0x400, $0x38;
	[tilespmem:$0x14200] =	vst v63  }
0x126: {  	s30 =	sld [smem:$0x7EF];
	s29 =	sadd.s32 s0, s16;
	s19 =	spop (v2sf)  }
0x127: {  	(v2sf) =	vpush v34, $0xF;
	[tilespmem:s28], [sflag:$0x1] =	stream.linear.gather [hbm4b:s29+s2], $0x400, $0x38;
	[tilespmem:$0x14200] =	vst v63  }
0x128: {  	s31 =	sadd.s32 $0xF4280, s29;
	s1 =	sld [smem:$0x7F0];
	s20 =	sadd.s32 $0x1E8500, s29  }
0x129: {  	[tilespmem:s30], [sflag:$0x1] =	stream.linear.gather [hbm4b:s31+s2], $0x400, $0x38;
	[tilespmem:$0x14200] =	vst v63  }
0x12a: {  	s16 =	sand.u32 $0xFFFFF80, s19;
	s21 =	sld [smem:$0x7F1]  }
0x12b: {  	[tilespmem:s1], [sflag:$0x1] =	stream.linear.gather [hbm4b:s20+s2], $0x400, $0x38;
	[tilespmem:$0x14200] =	vst v63  }
0x12c: {  	s22 =	sld [smem:$0x7F2];
	s23 =	sadd.s32 s0, s16;
	s15 =	sadd.s32 $0x2DC780, s29  }
0x12d: {  	[tilespmem:s21], [sflag:$0x1] =	stream.linear.gather [hbm4b:s15+s2], $0x400, $0x38;
	[tilespmem:$0x14200] =	vst v63  }
0x12e: {  	s24 =	sld [smem:$0x7F3];
	s25 =	sadd.s32 $0xF4280, s23  }
0x12f: {  	[tilespmem:s22], [sflag:$0x1] =	stream.linear.gather [hbm4b:s23+s2], $0x400, $0x38;
	[tilespmem:$0x14200] =	vst v63  }
0x130: {  	s26 =	sld [smem:$0x7F4];
	s28 =	spop (v2sf);
	s29 =	sadd.s32 $0x1E8500, s23  }
0x131: {  	[tilespmem:s24], [sflag:$0x1] =	stream.linear.gather [hbm4b:s25+s2], $0x400, $0x38;
	[tilespmem:$0x14200] =	vst v63  }
0x132: {  	s16 =	sand.u32 $0xFFFFF80, s28;
	s30 =	sld [smem:$0x7F5]  }
0x133: {  	[tilespmem:s26], [sflag:$0x1] =	stream.linear.gather [hbm4b:s29+s2], $0x400, $0x38;
	[tilespmem:$0x14200] =	vst v63  }
0x134: {  	s31 =	sld [smem:$0x7F6];
	s15 =	sadd.s32 $0x2DC780, s23  }
0x135: {  	[tilespmem:s30], [sflag:$0x1] =	stream.linear.gather [hbm4b:s15+s2], $0x400, $0x38;
	[tilespmem:$0x14200] =	vst v63  }
0x136: {  	s18 =	sld [smem:$0x7F7];
	s1 =	sadd.s32 s0, s16;
	s21 =	spop (v2sf)  }
0x137: {  	[tilespmem:s31], [sflag:$0x1] =	stream.linear.gather [hbm4b:s1+s2], $0x400, $0x38;
	[tilespmem:$0x14200] =	vst v63  }
0x138: {  	s20 =	sld [smem:$0x7F8];
	s19 =	sadd.s32 $0xF4280, s1;
	s16 =	sand.u32 $0xFFFFF80, s21  }
0x139: {  	[tilespmem:s18], [sflag:$0x1] =	stream.linear.gather [hbm4b:s19+s2], $0x400, $0x38;
	[tilespmem:$0x14200] =	vst v63  }
0x13a: {  	s22 =	sadd.s32 $0x1E8500, s1;
	s23 =	sld [smem:$0x7F9]  }
0x13b: {  	[tilespmem:s20], [sflag:$0x1] =	stream.linear.gather [hbm4b:s22+s2], $0x400, $0x38;
	[tilespmem:$0x14200] =	vst v63  }
0x13c: {  	s24 =	sld [smem:$0x7FA];
	s15 =	sadd.s32 $0x2DC780, s1  }
0x13d: {  	[tilespmem:s23], [sflag:$0x1] =	stream.linear.gather [hbm4b:s15+s2], $0x400, $0x38;
	[tilespmem:$0x14200] =	vst v63  }
0x13e: {  	s25 =	sadd.s32 s0, s16;
	s26 =	sld [smem:$0x7FB]  }
0x13f: {  	[tilespmem:s24], [sflag:$0x1] =	stream.linear.gather [hbm4b:s25+s2], $0x400, $0x38;
	[tilespmem:$0x14200] =	vst v63  }
0x140: {  	s28 =	sadd.s32 $0xF4280, s25;
	s29 =	sld [smem:$0x7FC]  }
0x141: {  	[tilespmem:s26], [sflag:$0x1] =	stream.linear.gather [hbm4b:s28+s2], $0x400, $0x38;
	[tilespmem:$0x14200] =	vst v63  }
0x142: {  	s14 =	sand.u32 $0x7F, s14;
	s30 =	sadd.s32 $0x1E8500, s25;
	s31 =	sld [smem:$0x7FD]  }
0x143: {  	[tilespmem:s29], [sflag:$0x1] =	stream.linear.gather [hbm4b:s30+s2], $0x400, $0x38;
	[tilespmem:$0x14200] =	vst v63  }
0x144: {  	v35 =	vor.u32 s14, v0;
	s1 =	simm.s32 $0x0;
	s15 =	sadd.s32 $0x2DC780, s25  }
0x145: {  	v37 =	vor.u32 s14, v1;
	v36 =	vmov s1;
	[tilespmem:s31], [sflag:$0x1] =	stream.linear.gather [hbm4b:s15+s2], $0x400, $0x38;
	[tilespmem:$0x14200] =	vst v63  }
0x146: {  	v38 =	vshll.u32 v36, $0x3;
	_ =	swait.ge [sflag:s9], $0x10000  }
0x147: {  	v36 =	vand.u32 $0x70, v36;
	v38 =	vand.u32 $0xC00, v38;
	[sflag:s9] =	ssyncset.done $0x0  }
0x148: {  	v34 =	vand.u32 $0x7F, v34;
	v36 =	vor.u32 v36, v38;
	[sflag:s9] =	ssyncadd.s32 $0xFFFF0000  }
0x149: {  	v52 =	vbroadcast v34, $0x1;
	v39 =	vor.u32 v2, v36;
	v35 =	vld.idx.msk [tilespmem:v35+s8+$0x0], $0xffff  }
0x14a: {  	v36 =	vor.u32 v3, v36;
	v37 =	vld.idx.msk [tilespmem:v37+s8+$0x0], $0xffff  }
0x14b: {  	v40 =	vor.u32 v4, v52;
	s16 =	simm.s32 $0x1  }
0x14c: {  	v41 =	vmov s16;
	v38 =	vor.u32 v5, v52  }
0x14d: {  	v42 =	vshll.u32 v41, $0x3  }
0x14e: {  	v53 =	vand.u32 $0x71, v41;
	v54 =	vand.u32 $0xC00, v42;
	[tilespmem:v39+s10+$0x0] =	vst.idx.msk $0xffff, v35  }
0x14f: {  	v35 =	vor.u32 v53, v54;
	[tilespmem:v36+s10+$0x0] =	vst.idx.msk $0xffff, v37  }
0x150: {  	v55 =	vbroadcast v34, $0x2;
	v39 =	vor.u32 v2, v35;
	v37 =	vld.idx.msk [tilespmem:v40+s8+$0x0], $0xffff  }
0x151: {  	v35 =	vor.u32 v3, v35;
	v38 =	vld.idx.msk [tilespmem:v38+s8+$0x0], $0xffff  }
0x152: {  	s17 =	simm.s32 $0x2;
	v56 =	vor.u32 v6, v55  }
0x153: {  	v57 =	vmov s17;
	v36 =	vor.u32 v7, v55  }
0x154: {  	v58 =	vshll.u32 v57, $0x3  }
0x155: {  	v59 =	vand.u32 $0x72, v57;
	v60 =	vand.u32 $0xC00, v58;
	[tilespmem:v39+s10+$0x0] =	vst.idx.msk $0xffff, v37  }
0x156: {  	v61 =	vor.u32 v59, v60;
	[tilespmem:v35+s10+$0x0] =	vst.idx.msk $0xffff, v38  }
0x157: {  	v62 =	vbroadcast v34, $0x3;
	v39 =	vor.u32 v2, v61;
	v38 =	vld.idx.msk [tilespmem:v56+s8+$0x0], $0xffff  }
0x158: {  	v35 =	vor.u32 v3, v61;
	v36 =	vld.idx.msk [tilespmem:v36+s8+$0x0], $0xffff  }
0x159: {  	v63 =	vor.u32 v8, v62;
	s18 =	simm.s32 $0x3  }
0x15a: {  	v45 =	vmov s18;
	v37 =	vor.u32 v9, v62  }
0x15b: {  	v46 =	vshll.u32 v45, $0x3  }
0x15c: {  	v47 =	vand.u32 $0x73, v45;
	v48 =	vand.u32 $0xC00, v46;
	[tilespmem:v39+s10+$0x0] =	vst.idx.msk $0xffff, v38  }
0x15d: {  	v49 =	vor.u32 v47, v48;
	[tilespmem:v35+s10+$0x0] =	vst.idx.msk $0xffff, v36  }
0x15e: {  	v50 =	vbroadcast v34, $0x4;
	v39 =	vor.u32 v2, v49;
	v51 =	vld.idx.msk [tilespmem:v63+s8+$0x0], $0xffff  }
0x15f: {  	v35 =	vor.u32 v3, v49;
	v37 =	vld.idx.msk [tilespmem:v37+s8+$0x0], $0xffff  }
0x160: {  	s19 =	simm.s32 $0x4;
	v52 =	vor.u32 v10, v50  }
0x161: {  	v53 =	vmov s19;
	v36 =	vor.u32 v11, v50  }
0x162: {  	v54 =	vshll.u32 v53, $0x3  }
0x163: {  	v55 =	vand.u32 $0x74, v53;
	v56 =	vand.u32 $0xC00, v54;
	[tilespmem:v39+s10+$0x0] =	vst.idx.msk $0xffff, v51  }
0x164: {  	v57 =	vor.u32 v55, v56;
	[tilespmem:v35+s10+$0x0] =	vst.idx.msk $0xffff, v37  }
0x165: {  	v58 =	vbroadcast v34, $0x5;
	v39 =	vor.u32 v2, v57;
	v59 =	vld.idx.msk [tilespmem:v52+s8+$0x0], $0xffff  }
0x166: {  	v35 =	vor.u32 v3, v57;
	v36 =	vld.idx.msk [tilespmem:v36+s8+$0x0], $0xffff  }
0x167: {  	v60 =	vor.u32 v12, v58;
	s20 =	simm.s32 $0x5  }
0x168: {  	v61 =	vmov s20;
	v37 =	vor.u32 v13, v58  }
0x169: {  	v62 =	vshll.u32 v61, $0x3  }
0x16a: {  	v43 =	vand.u32 $0xC00, v62;
	v63 =	vand.u32 $0x75, v61;
	[tilespmem:v39+s10+$0x0] =	vst.idx.msk $0xffff, v59  }
0x16b: {  	v44 =	vor.u32 v63, v43;
	[tilespmem:v35+s10+$0x0] =	vst.idx.msk $0xffff, v36  }
0x16c: {  	v45 =	vbroadcast v34, $0x6;
	v39 =	vor.u32 v2, v44;
	v46 =	vld.idx.msk [tilespmem:v60+s8+$0x0], $0xffff  }
0x16d: {  	v35 =	vor.u32 v3, v44;
	v37 =	vld.idx.msk [tilespmem:v37+s8+$0x0], $0xffff  }
0x16e: {  	s21 =	simm.s32 $0x6;
	v47 =	vor.u32 v14, v45  }
0x16f: {  	v48 =	vmov s21;
	v36 =	vor.u32 v15, v45  }
0x170: {  	v49 =	vshll.u32 v48, $0x3  }
0x171: {  	v50 =	vand.u32 $0x76, v48;
	v51 =	vand.u32 $0xC00, v49;
	[tilespmem:v39+s10+$0x0] =	vst.idx.msk $0xffff, v46  }
0x172: {  	v52 =	vor.u32 v50, v51;
	[tilespmem:v35+s10+$0x0] =	vst.idx.msk $0xffff, v37  }
0x173: {  	v53 =	vbroadcast v34, $0x7;
	v39 =	vor.u32 v2, v52;
	v54 =	vld.idx.msk [tilespmem:v47+s8+$0x0], $0xffff  }
0x174: {  	v35 =	vor.u32 v3, v52;
	v36 =	vld.idx.msk [tilespmem:v36+s8+$0x0], $0xffff  }
0x175: {  	s22 =	simm.s32 $0x7;
	v55 =	vor.u32 v16, v53  }
0x176: {  	v56 =	vmov s22;
	v37 =	vor.u32 v17, v53  }
0x177: {  	v57 =	vshll.u32 v56, $0x3  }
0x178: {  	v58 =	vand.u32 $0x77, v56;
	v59 =	vand.u32 $0xC00, v57;
	[tilespmem:v39+s10+$0x0] =	vst.idx.msk $0xffff, v54  }
0x179: {  	v60 =	vor.u32 v58, v59;
	[tilespmem:v35+s10+$0x0] =	vst.idx.msk $0xffff, v36  }
0x17a: {  	v61 =	vbroadcast v34, $0x8;
	v39 =	vor.u32 v2, v60;
	v62 =	vld.idx.msk [tilespmem:v55+s8+$0x0], $0xffff  }
0x17b: {  	v35 =	vor.u32 v3, v60;
	v37 =	vld.idx.msk [tilespmem:v37+s8+$0x0], $0xffff  }
0x17c: {  	s23 =	simm.s32 $0x8;
	v63 =	vor.u32 v18, v61  }
0x17d: {  	v45 =	vmov s23;
	v36 =	vor.u32 v19, v61  }
0x17e: {  	v46 =	vshll.u32 v45, $0x3  }
0x17f: {  	v48 =	vand.u32 $0xC00, v46;
	v47 =	vand.u32 $0x78, v45;
	[tilespmem:v39+s10+$0x0] =	vst.idx.msk $0xffff, v62  }
0x180: {  	v49 =	vor.u32 v47, v48;
	[tilespmem:v35+s10+$0x0] =	vst.idx.msk $0xffff, v37  }
0x181: {  	v50 =	vbroadcast v34, $0x9;
	v39 =	vor.u32 v2, v49;
	v51 =	vld.idx.msk [tilespmem:v63+s8+$0x0], $0xffff  }
0x182: {  	v35 =	vor.u32 v3, v49;
	v36 =	vld.idx.msk [tilespmem:v36+s8+$0x0], $0xffff  }
0x183: {  	s24 =	simm.s32 $0x9;
	v52 =	vor.u32 v20, v50  }
0x184: {  	v53 =	vmov s24;
	v37 =	vor.u32 v21, v50  }
0x185: {  	v54 =	vshll.u32 v53, $0x3  }
0x186: {  	v56 =	vand.u32 $0xC00, v54;
	v55 =	vand.u32 $0x79, v53;
	[tilespmem:v39+s10+$0x0] =	vst.idx.msk $0xffff, v51  }
0x187: {  	v57 =	vor.u32 v55, v56;
	[tilespmem:v35+s10+$0x0] =	vst.idx.msk $0xffff, v36  }
0x188: {  	v58 =	vbroadcast v34, $0xA;
	v39 =	vor.u32 v2, v57;
	v59 =	vld.idx.msk [tilespmem:v52+s8+$0x0], $0xffff  }
0x189: {  	v35 =	vor.u32 v3, v57;
	v37 =	vld.idx.msk [tilespmem:v37+s8+$0x0], $0xffff  }
0x18a: {  	s25 =	simm.s32 $0xA;
	v60 =	vor.u32 v22, v58  }
0x18b: {  	v61 =	vmov s25;
	v36 =	vor.u32 v23, v58  }
0x18c: {  	v62 =	vshll.u32 v61, $0x3  }
0x18d: {  	v43 =	vand.u32 $0xC00, v62;
	v63 =	vand.u32 $0x7A, v61;
	[tilespmem:v39+s10+$0x0] =	vst.idx.msk $0xffff, v59  }
0x18e: {  	v44 =	vor.u32 v63, v43;
	[tilespmem:v35+s10+$0x0] =	vst.idx.msk $0xffff, v37  }
0x18f: {  	v45 =	vbroadcast v34, $0xB;
	v39 =	vor.u32 v2, v44;
	v46 =	vld.idx.msk [tilespmem:v60+s8+$0x0], $0xffff  }
0x190: {  	v35 =	vor.u32 v3, v44;
	v36 =	vld.idx.msk [tilespmem:v36+s8+$0x0], $0xffff  }
0x191: {  	s26 =	simm.s32 $0xB;
	v47 =	vor.u32 v24, v45  }
0x192: {  	v48 =	vmov s26;
	v37 =	vor.u32 v25, v45  }
0x193: {  	v49 =	vshll.u32 v48, $0x3  }
0x194: {  	v50 =	vand.u32 $0x7B, v48;
	v51 =	vand.u32 $0xC00, v49;
	[tilespmem:v39+s10+$0x0] =	vst.idx.msk $0xffff, v46  }
0x195: {  	v52 =	vor.u32 v50, v51;
	[tilespmem:v35+s10+$0x0] =	vst.idx.msk $0xffff, v36  }
0x196: {  	v53 =	vbroadcast v34, $0xC;
	v39 =	vor.u32 v2, v52;
	v54 =	vld.idx.msk [tilespmem:v47+s8+$0x0], $0xffff  }
0x197: {  	v35 =	vor.u32 v3, v52;
	v37 =	vld.idx.msk [tilespmem:v37+s8+$0x0], $0xffff  }
0x198: {  	s28 =	simm.s32 $0xC;
	v55 =	vor.u32 v26, v53  }
0x199: {  	v56 =	vmov s28;
	v36 =	vor.u32 v27, v53  }
0x19a: {  	v57 =	vshll.u32 v56, $0x3  }
0x19b: {  	v58 =	vand.u32 $0x7C, v56;
	v59 =	vand.u32 $0xC00, v57;
	[tilespmem:v39+s10+$0x0] =	vst.idx.msk $0xffff, v54  }
0x19c: {  	v60 =	vor.u32 v58, v59;
	[tilespmem:v35+s10+$0x0] =	vst.idx.msk $0xffff, v37  }
0x19d: {  	v61 =	vbroadcast v34, $0xD;
	v39 =	vor.u32 v2, v60;
	v62 =	vld.idx.msk [tilespmem:v55+s8+$0x0], $0xffff  }
0x19e: {  	v35 =	vor.u32 v3, v60;
	v36 =	vld.idx.msk [tilespmem:v36+s8+$0x0], $0xffff  }
0x19f: {  	s29 =	simm.s32 $0xD;
	v63 =	vor.u32 v28, v61  }
0x1a0: {  	v45 =	vmov s29;
	v37 =	vor.u32 v29, v61  }
0x1a1: {  	v46 =	vshll.u32 v45, $0x3  }
0x1a2: {  	v48 =	vand.u32 $0xC00, v46;
	v47 =	vand.u32 $0x7D, v45;
	[tilespmem:v39+s10+$0x0] =	vst.idx.msk $0xffff, v62  }
0x1a3: {  	v49 =	vor.u32 v47, v48;
	[tilespmem:v35+s10+$0x0] =	vst.idx.msk $0xffff, v36  }
0x1a4: {  	v50 =	vbroadcast v34, $0xE;
	v39 =	vor.u32 v2, v49;
	v51 =	vld.idx.msk [tilespmem:v63+s8+$0x0], $0xffff  }
0x1a5: {  	v35 =	vor.u32 v3, v49;
	v37 =	vld.idx.msk [tilespmem:v37+s8+$0x0], $0xffff  }
0x1a6: {  	s30 =	simm.s32 $0xE;
	v52 =	vor.u32 v30, v50  }
0x1a7: {  	v53 =	vmov s30;
	v36 =	vor.u32 v31, v50  }
0x1a8: {  	v54 =	vshll.u32 v53, $0x3  }
0x1a9: {  	v56 =	vand.u32 $0xC00, v54;
	v55 =	vand.u32 $0x7E, v53;
	[tilespmem:v39+s10+$0x0] =	vst.idx.msk $0xffff, v51  }
0x1aa: {  	v57 =	vor.u32 v55, v56;
	[tilespmem:v35+s10+$0x0] =	vst.idx.msk $0xffff, v37  }
0x1ab: {  	v34 =	vbroadcast v34, $0xF;
	v38 =	vor.u32 v2, v57;
	v37 =	vld.idx.msk [tilespmem:v52+s8+$0x0], $0xffff  }
0x1ac: {  	v35 =	vor.u32 v3, v57;
	v36 =	vld.idx.msk [tilespmem:v36+s8+$0x0], $0xffff  }
0x1ad: {  	s31 =	simm.s32 $0xF;
	v58 =	vor.u32 v32, v34  }
0x1ae: {  	v59 =	vmov s31  }
0x1af: {  	v60 =	vshll.u32 v59, $0x3  }
0x1b0: {  	v61 =	vand.u32 $0x7F, v59;
	v62 =	vand.u32 $0xC00, v60;
	[tilespmem:v38+s10+$0x0] =	vst.idx.msk $0xffff, v37  }
0x1b1: {  	v63 =	vor.u32 v61, v62;
	[tilespmem:v35+s10+$0x0] =	vst.idx.msk $0xffff, v36  }
0x1b2: {  	v34 =	vor.u32 v33, v34;
	v37 =	vor.u32 v2, v63;
	v36 =	vld.idx.msk [tilespmem:v58+s8+$0x0], $0xffff;
	_ =	sdelay $0x4  }
0x1b3: {  	s14 =	simm.s32 $0x1F;
	s15 =	simm.s32 $0x0;
	v35 =	vor.u32 v3, v63;
	v34 =	vld.idx.msk [tilespmem:v34+s8+$0x0], $0xffff;
	[tilespmem:v37+s10+$0x0] =	vst.idx.msk $0xffff, v36  }
.LBB2_2:
0x1b4: {  	_ =	sdelay $0x3  }
0x1b5: {  	s15 =	sadd.s32 $0x10, s15;
	[tilespmem:v35+s10+$0x0] =	vst.idx.msk $0xffff, v34  }
0x1b6: {  	v49 =	vld [tilespmem:s15+$0x0];
	_ =	sdelay $0x4  }
0x1b7: {  	(v2sf) =	vpush v49, $0x0;
	_ =	sdelay $0x1  }
0x1b8: {  	(v2sf) =	vpush v49, $0x1;
	_ =	sdelay $0x1  }
0x1b9: {  	(v2sf) =	vpush v49, $0x2;
	_ =	sdelay $0x1  }
0x1ba: {  	(v2sf) =	vpush v49, $0x3;
	_ =	sdelay $0x3  }
0x1bb: {  	(v2sf) =	vpush v49, $0x4;
	_ =	sdelay $0x3  }
0x1bc: {  	(v2sf) =	vpush v49, $0x5  }
0x1bd: {  	s18 =	rddreg [dreg:$0x5];
	s17 =	spop (v2sf)  }
0x1be: {  	s20 =	rddreg [dreg:$0x4];
	s19 =	sand.u32 $0xFFFFF80, s17  }
0x1bf: {  	s28 =	rddreg [dreg:$0x6];
	s21 =	spop (v2sf);
	s19 =	sadd.s32 s0, s19  }
0x1c0: {  	(v2sf) =	vpush v49, $0x6;
	[tilespmem:s8], [sflag:$0x1] =	stream.linear.gather [hbm4b:s19+s2], $0x400, $0x38;
	[tilespmem:$0x14200] =	vst v63  }
0x1c1: {  	s30 =	rddreg [dreg:$0x7];
	s24 =	spop (v2sf);
	s23 =	sadd.s32 $0xF4280, s19  }
0x1c2: {  	[tilespmem:s20], [sflag:$0x1] =	stream.linear.gather [hbm4b:s23+s2], $0x400, $0x38;
	[tilespmem:$0x14200] =	vst v63  }
0x1c3: {  	s22 =	sand.u32 $0xFFFFF80, s21;
	s25 =	spop (v2sf);
	s26 =	sadd.s32 $0x1E8500, s19  }
0x1c4: {  	(v2sf) =	vpush v49, $0x7;
	[tilespmem:s18], [sflag:$0x1] =	stream.linear.gather [hbm4b:s26+s2], $0x400, $0x38;
	[tilespmem:$0x14200] =	vst v63  }
0x1c5: {  	s24 =	sand.u32 $0xFFFFF80, s24;
	s29 =	sadd.s32 $0x2DC780, s19;
	s1 =	sadd.s32 s0, s22  }
0x1c6: {  	[tilespmem:s28], [sflag:$0x1] =	stream.linear.gather [hbm4b:s29+s2], $0x400, $0x38;
	[tilespmem:$0x14200] =	vst v63  }
0x1c7: {  	s21 =	sand.u32 $0xFFFFF80, s25;
	s31 =	spop (v2sf);
	s26 =	rddreg [dreg:$0xa]  }
0x1c8: {  	(v2sf) =	vpush v49, $0x8;
	[tilespmem:s30], [sflag:$0x1] =	stream.linear.gather [hbm4b:s1+s2], $0x400, $0x38;
	[tilespmem:$0x14200] =	vst v63  }
0x1c9: {  	s20 =	sand.u32 $0xFFFFF80, s31;
	s28 =	rddreg [dreg:$0x8];
	s29 =	sadd.s32 $0xF4280, s1  }
0x1ca: {  	[tilespmem:s28], [sflag:$0x1] =	stream.linear.gather [hbm4b:s29+s2], $0x400, $0x38;
	[tilespmem:$0x14200] =	vst v63  }
0x1cb: {  	s25 =	spop (v2sf);
	s31 =	sadd.s32 $0x1E8500, s1;
	s30 =	rddreg [dreg:$0x9]  }
0x1cc: {  	(v2sf) =	vpush v49, $0x9;
	[tilespmem:s30], [sflag:$0x1] =	stream.linear.gather [hbm4b:s31+s2], $0x400, $0x38;
	[tilespmem:$0x14200] =	vst v63  }
0x1cd: {  	s24 =	sadd.s32 s0, s24;
	s18 =	sadd.s32 $0x2DC780, s1;
	s1 =	rddreg [dreg:$0xb]  }
0x1ce: {  	[tilespmem:s26], [sflag:$0x1] =	stream.linear.gather [hbm4b:s18+s2], $0x400, $0x38;
	[tilespmem:$0x14200] =	vst v63  }
0x1cf: {  	s19 =	sand.u32 $0xFFFFF80, s25;
	s29 =	rddreg [dreg:$0xd];
	s25 =	spop (v2sf)  }
0x1d0: {  	(v2sf) =	vpush v49, $0xA;
	[tilespmem:s1], [sflag:$0x1] =	stream.linear.gather [hbm4b:s24+s2], $0x400, $0x38;
	[tilespmem:$0x14200] =	vst v63  }
0x1d1: {  	s21 =	sadd.s32 s0, s21;
	s28 =	sadd.s32 $0xF4280, s24;
	s26 =	rddreg [dreg:$0xc]  }
0x1d2: {  	[tilespmem:s26], [sflag:$0x1] =	stream.linear.gather [hbm4b:s28+s2], $0x400, $0x38;
	[tilespmem:$0x14200] =	vst v63  }
0x1d3: {  	s31 =	sadd.s32 $0x1E8500, s24;
	s30 =	spop (v2sf);
	s1 =	rddreg [dreg:$0xe]  }
0x1d4: {  	(v2sf) =	vpush v49, $0xB;
	[tilespmem:s29], [sflag:$0x1] =	stream.linear.gather [hbm4b:s31+s2], $0x400, $0x38;
	[tilespmem:$0x14200] =	vst v63  }
0x1d5: {  	s18 =	sand.u32 $0xFFFFF80, s25;
	s24 =	sadd.s32 $0x2DC780, s24;
	s28 =	rddreg [dreg:$0xf]  }
0x1d6: {  	[tilespmem:s1], [sflag:$0x1] =	stream.linear.gather [hbm4b:s24+s2], $0x400, $0x38;
	[tilespmem:$0x14200] =	vst v63  }
0x1d7: {  	s26 =	sand.u32 $0xFFFFF80, s30;
	s30 =	rddreg [dreg:$0x10];
	s29 =	spop (v2sf)  }
0x1d8: {  	(v2sf) =	vpush v49, $0xC;
	[tilespmem:s28], [sflag:$0x1] =	stream.linear.gather [hbm4b:s21+s2], $0x400, $0x38;
	[tilespmem:$0x14200] =	vst v63  }
0x1d9: {  	s31 =	sadd.s32 $0xF4280, s21;
	s25 =	sand.u32 $0xFFFFF80, s29;
	s29 =	rddreg [dreg:$0x12]  }
0x1da: {  	[tilespmem:s30], [sflag:$0x1] =	stream.linear.gather [hbm4b:s31+s2], $0x400, $0x38;
	[tilespmem:$0x14200] =	vst v63  }
0x1db: {  	s23 =	sadd.s32 $0x1E8500, s21;
	s1 =	spop (v2sf);
	s28 =	rddreg [dreg:$0x11]  }
0x1dc: {  	(v2sf) =	vpush v49, $0xD;
	[tilespmem:s28], [sflag:$0x1] =	stream.linear.gather [hbm4b:s23+s2], $0x400, $0x38;
	[tilespmem:$0x14200] =	vst v63  }
0x1dd: {  	s24 =	sand.u32 $0xFFFFF80, s1;
	s1 =	rddreg [dreg:$0x14];
	s21 =	sadd.s32 $0x2DC780, s21  }
0x1de: {  	[tilespmem:s29], [sflag:$0x1] =	stream.linear.gather [hbm4b:s21+s2], $0x400, $0x38;
	[tilespmem:$0x14200] =	vst v63  }
0x1df: {  	s20 =	sadd.s32 s0, s20;
	s30 =	rddreg [dreg:$0x13];
	s31 =	spop (v2sf)  }
0x1e0: {  	(v2sf) =	vpush v49, $0xE;
	[tilespmem:s30], [sflag:$0x1] =	stream.linear.gather [hbm4b:s20+s2], $0x400, $0x38;
	[tilespmem:$0x14200] =	vst v63  }
0x1e1: {  	s28 =	rddreg [dreg:$0x1b];
	s23 =	sand.u32 $0xFFFFF80, s31;
	s30 =	sadd.s32 $0xF4280, s20  }
0x1e2: {  	[tilespmem:s1], [sflag:$0x1] =	stream.linear.gather [hbm4b:s30+s2], $0x400, $0x38;
	[tilespmem:$0x14200] =	vst v63  }
0x1e3: {  	s31 =	rddreg [dreg:$0x15];
	s29 =	spop (v2sf);
	s1 =	sadd.s32 $0x1E8500, s20  }
0x1e4: {  	(v2sf) =	vpush v49, $0xF;
	[tilespmem:s31], [sflag:$0x1] =	stream.linear.gather [hbm4b:s1+s2], $0x400, $0x38;
	[tilespmem:$0x14200] =	vst v63  }
0x1e5: {  	s19 =	sadd.s32 s0, s19;
	s30 =	rddreg [dreg:$0x16];
	s20 =	sadd.s32 $0x2DC780, s20  }
0x1e6: {  	[tilespmem:s30], [sflag:$0x1] =	stream.linear.gather [hbm4b:s20+s2], $0x400, $0x38;
	[tilespmem:$0x14200] =	vst v63  }
0x1e7: {  	s22 =	sand.u32 $0xFFFFF80, s29;
	s29 =	rddreg [dreg:$0x17];
	s31 =	spop (v2sf)  }
0x1e8: {  	[tilespmem:s29], [sflag:$0x1] =	stream.linear.gather [hbm4b:s19+s2], $0x400, $0x38;
	[tilespmem:$0x14200] =	vst v63  }
0x1e9: {  	s1 =	rddreg [dreg:$0x18];
	s21 =	sand.u32 $0xFFFFF80, s31;
	s31 =	sadd.s32 $0xF4280, s19  }
0x1ea: {  	[tilespmem:s1], [sflag:$0x1] =	stream.linear.gather [hbm4b:s31+s2], $0x400, $0x38;
	[tilespmem:$0x14200] =	vst v63  }
0x1eb: {  	s30 =	spop (v2sf);
	s29 =	rddreg [dreg:$0x19];
	s1 =	sadd.s32 $0x1E8500, s19  }
0x1ec: {  	[tilespmem:s29], [sflag:$0x1] =	stream.linear.gather [hbm4b:s1+s2], $0x400, $0x38;
	[tilespmem:$0x14200] =	vst v63  }
0x1ed: {  	s20 =	sand.u32 $0xFFFFF80, s30;
	s31 =	rddreg [dreg:$0x1a];
	s19 =	sadd.s32 $0x2DC780, s19  }
0x1ee: {  	[tilespmem:s31], [sflag:$0x1] =	stream.linear.gather [hbm4b:s19+s2], $0x400, $0x38;
	[tilespmem:$0x14200] =	vst v63  }
0x1ef: {  	s30 =	sadd.s32 s0, s18;
	s18 =	rddreg [dreg:$0x1c];
	s1 =	spop (v2sf)  }
0x1f0: {  	[tilespmem:s28], [sflag:$0x1] =	stream.linear.gather [hbm4b:s30+s2], $0x400, $0x38;
	[tilespmem:$0x14200] =	vst v63  }
0x1f1: {  	s29 =	rddreg [dreg:$0x1d];
	s19 =	sand.u32 $0xFFFFF80, s1;
	s1 =	sadd.s32 $0xF4280, s30  }
0x1f2: {  	[tilespmem:s18], [sflag:$0x1] =	stream.linear.gather [hbm4b:s1+s2], $0x400, $0x38;
	[tilespmem:$0x14200] =	vst v63  }
0x1f3: {  	s31 =	spop (v2sf);
	s28 =	sadd.s32 $0x1E8500, s30;
	s1 =	rddreg [dreg:$0x1e]  }
0x1f4: {  	[tilespmem:s29], [sflag:$0x1] =	stream.linear.gather [hbm4b:s28+s2], $0x400, $0x38;
	[tilespmem:$0x14200] =	vst v63  }
0x1f5: {  	s30 =	sadd.s32 $0x2DC780, s30;
	s18 =	sand.u32 $0xFFFFF80, s31;
	s31 =	rddreg [dreg:$0x1f]  }
0x1f6: {  	[tilespmem:s1], [sflag:$0x1] =	stream.linear.gather [hbm4b:s30+s2], $0x400, $0x38;
	[tilespmem:$0x14200] =	vst v63  }
0x1f7: {  	s1 =	sadd.s32 s0, s26;
	s30 =	sld [smem:$0x7DB]  }
0x1f8: {  	[tilespmem:s31], [sflag:$0x1] =	stream.linear.gather [hbm4b:s1+s2], $0x400, $0x38;
	[tilespmem:$0x14200] =	vst v63  }
0x1f9: {  	s29 =	sld [smem:$0x7DC];
	s31 =	sadd.s32 $0xF4280, s1  }
0x1fa: {  	[tilespmem:s30], [sflag:$0x1] =	stream.linear.gather [hbm4b:s31+s2], $0x400, $0x38;
	[tilespmem:$0x14200] =	vst v63  }
0x1fb: {  	s30 =	sadd.s32 $0x1E8500, s1;
	s31 =	sld [smem:$0x7DD]  }
0x1fc: {  	[tilespmem:s29], [sflag:$0x1] =	stream.linear.gather [hbm4b:s30+s2], $0x400, $0x38;
	[tilespmem:$0x14200] =	vst v63  }
0x1fd: {  	s1 =	sadd.s32 $0x2DC780, s1;
	s29 =	sld [smem:$0x7DE]  }
0x1fe: {  	[tilespmem:s31], [sflag:$0x1] =	stream.linear.gather [hbm4b:s1+s2], $0x400, $0x38;
	[tilespmem:$0x14200] =	vst v63  }
0x1ff: {  	s30 =	sld [smem:$0x7DF];
	s1 =	sadd.s32 s0, s25  }
0x200: {  	[tilespmem:s29], [sflag:$0x1] =	stream.linear.gather [hbm4b:s1+s2], $0x400, $0x38;
	[tilespmem:$0x14200] =	vst v63  }
0x201: {  	s31 =	sadd.s32 $0xF4280, s1;
	s29 =	sld [smem:$0x7E0]  }
0x202: {  	[tilespmem:s30], [sflag:$0x1] =	stream.linear.gather [hbm4b:s31+s2], $0x400, $0x38;
	[tilespmem:$0x14200] =	vst v63  }
0x203: {  	s30 =	sadd.s32 $0x1E8500, s1;
	s31 =	sld [smem:$0x7E1]  }
0x204: {  	[tilespmem:s29], [sflag:$0x1] =	stream.linear.gather [hbm4b:s30+s2], $0x400, $0x38;
	[tilespmem:$0x14200] =	vst v63  }
0x205: {  	s28 =	sld [smem:$0x7E2];
	s1 =	sadd.s32 $0x2DC780, s1  }
0x206: {  	[tilespmem:s31], [sflag:$0x1] =	stream.linear.gather [hbm4b:s1+s2], $0x400, $0x38;
	[tilespmem:$0x14200] =	vst v63  }
0x207: {  	s29 =	sld [smem:$0x7E3];
	s1 =	sadd.s32 s0, s24  }
0x208: {  	[tilespmem:s28], [sflag:$0x1] =	stream.linear.gather [hbm4b:s1+s2], $0x400, $0x38;
	[tilespmem:$0x14200] =	vst v63  }
0x209: {  	s31 =	sld [smem:$0x7E4];
	s30 =	sadd.s32 $0xF4280, s1  }
0x20a: {  	[tilespmem:s29], [sflag:$0x1] =	stream.linear.gather [hbm4b:s30+s2], $0x400, $0x38;
	[tilespmem:$0x14200] =	vst v63  }
0x20b: {  	s25 =	sadd.s32 $0x1E8500, s1;
	s28 =	sld [smem:$0x7E5]  }
0x20c: {  	[tilespmem:s31], [sflag:$0x1] =	stream.linear.gather [hbm4b:s25+s2], $0x400, $0x38;
	[tilespmem:$0x14200] =	vst v63  }
0x20d: {  	s1 =	sadd.s32 $0x2DC780, s1;
	s29 =	sld [smem:$0x7E6]  }
0x20e: {  	[tilespmem:s28], [sflag:$0x1] =	stream.linear.gather [hbm4b:s1+s2], $0x400, $0x38;
	[tilespmem:$0x14200] =	vst v63  }
0x20f: {  	s30 =	sadd.s32 s0, s23;
	s31 =	sld [smem:$0x7E7]  }
0x210: {  	[tilespmem:s29], [sflag:$0x1] =	stream.linear.gather [hbm4b:s30+s2], $0x400, $0x38;
	[tilespmem:$0x14200] =	vst v63  }
0x211: {  	s26 =	sld [smem:$0x7E8];
	s25 =	sadd.s32 $0xF4280, s30  }
0x212: {  	[tilespmem:s31], [sflag:$0x1] =	stream.linear.gather [hbm4b:s25+s2], $0x400, $0x38;
	[tilespmem:$0x14200] =	vst v63  }
0x213: {  	s28 =	sadd.s32 $0x1E8500, s30;
	s29 =	sld [smem:$0x7E9]  }
0x214: {  	[tilespmem:s26], [sflag:$0x1] =	stream.linear.gather [hbm4b:s28+s2], $0x400, $0x38;
	[tilespmem:$0x14200] =	vst v63  }
0x215: {  	s1 =	sadd.s32 $0x2DC780, s30;
	s30 =	sld [smem:$0x7EA]  }
0x216: {  	[tilespmem:s29], [sflag:$0x1] =	stream.linear.gather [hbm4b:s1+s2], $0x400, $0x38;
	[tilespmem:$0x14200] =	vst v63  }
0x217: {  	s24 =	sld [smem:$0x7EB];
	s31 =	sadd.s32 s0, s22  }
0x218: {  	[tilespmem:s30], [sflag:$0x1] =	stream.linear.gather [hbm4b:s31+s2], $0x400, $0x38;
	[tilespmem:$0x14200] =	vst v63  }
0x219: {  	s25 =	sadd.s32 $0xF4280, s31;
	s26 =	sld [smem:$0x7EC]  }
0x21a: {  	[tilespmem:s24], [sflag:$0x1] =	stream.linear.gather [hbm4b:s25+s2], $0x400, $0x38;
	[tilespmem:$0x14200] =	vst v63  }
0x21b: {  	s28 =	sadd.s32 $0x1E8500, s31;
	s29 =	sld [smem:$0x7ED]  }
0x21c: {  	[tilespmem:s26], [sflag:$0x1] =	stream.linear.gather [hbm4b:s28+s2], $0x400, $0x38;
	[tilespmem:$0x14200] =	vst v63  }
0x21d: {  	s1 =	sadd.s32 $0x2DC780, s31;
	s30 =	sld [smem:$0x7EE]  }
0x21e: {  	[tilespmem:s29], [sflag:$0x1] =	stream.linear.gather [hbm4b:s1+s2], $0x400, $0x38;
	[tilespmem:$0x14200] =	vst v63  }
0x21f: {  	s23 =	sld [smem:$0x7EF];
	s31 =	sadd.s32 s0, s21  }
0x220: {  	[tilespmem:s30], [sflag:$0x1] =	stream.linear.gather [hbm4b:s31+s2], $0x400, $0x38;
	[tilespmem:$0x14200] =	vst v63  }
0x221: {  	s24 =	sadd.s32 $0xF4280, s31;
	s25 =	sld [smem:$0x7F0]  }
0x222: {  	[tilespmem:s23], [sflag:$0x1] =	stream.linear.gather [hbm4b:s24+s2], $0x400, $0x38;
	[tilespmem:$0x14200] =	vst v63  }
0x223: {  	s26 =	sadd.s32 $0x1E8500, s31;
	s28 =	sld [smem:$0x7F1]  }
0x224: {  	[tilespmem:s25], [sflag:$0x1] =	stream.linear.gather [hbm4b:s26+s2], $0x400, $0x38;
	[tilespmem:$0x14200] =	vst v63  }
0x225: {  	s1 =	sadd.s32 $0x2DC780, s31;
	s29 =	sld [smem:$0x7F2]  }
0x226: {  	[tilespmem:s28], [sflag:$0x1] =	stream.linear.gather [hbm4b:s1+s2], $0x400, $0x38;
	[tilespmem:$0x14200] =	vst v63  }
0x227: {  	s30 =	sadd.s32 s0, s20;
	s31 =	sld [smem:$0x7F3]  }
0x228: {  	[tilespmem:s29], [sflag:$0x1] =	stream.linear.gather [hbm4b:s30+s2], $0x400, $0x38;
	[tilespmem:$0x14200] =	vst v63  }
0x229: {  	s22 =	sadd.s32 $0xF4280, s30;
	s23 =	sld [smem:$0x7F4]  }
0x22a: {  	[tilespmem:s31], [sflag:$0x1] =	stream.linear.gather [hbm4b:s22+s2], $0x400, $0x38;
	[tilespmem:$0x14200] =	vst v63  }
0x22b: {  	s24 =	sadd.s32 $0x1E8500, s30;
	s25 =	sld [smem:$0x7F5]  }
0x22c: {  	[tilespmem:s23], [sflag:$0x1] =	stream.linear.gather [hbm4b:s24+s2], $0x400, $0x38;
	[tilespmem:$0x14200] =	vst v63  }
0x22d: {  	s26 =	sld [smem:$0x7F6];
	s1 =	sadd.s32 $0x2DC780, s30  }
0x22e: {  	[tilespmem:s25], [sflag:$0x1] =	stream.linear.gather [hbm4b:s1+s2], $0x400, $0x38;
	[tilespmem:$0x14200] =	vst v63  }
0x22f: {  	s28 =	sadd.s32 s0, s19;
	s29 =	sld [smem:$0x7F7]  }
0x230: {  	[tilespmem:s26], [sflag:$0x1] =	stream.linear.gather [hbm4b:s28+s2], $0x400, $0x38;
	[tilespmem:$0x14200] =	vst v63  }
0x231: {  	s30 =	sadd.s32 $0xF4280, s28;
	s31 =	sld [smem:$0x7F8]  }
0x232: {  	[tilespmem:s29], [sflag:$0x1] =	stream.linear.gather [hbm4b:s30+s2], $0x400, $0x38;
	[tilespmem:$0x14200] =	vst v63  }
0x233: {  	s20 =	sadd.s32 $0x1E8500, s28;
	s22 =	sld [smem:$0x7F9]  }
0x234: {  	[tilespmem:s31], [sflag:$0x1] =	stream.linear.gather [hbm4b:s20+s2], $0x400, $0x38;
	[tilespmem:$0x14200] =	vst v63  }
0x235: {  	s23 =	sld [smem:$0x7FA];
	s1 =	sadd.s32 $0x2DC780, s28  }
0x236: {  	[tilespmem:s22], [sflag:$0x1] =	stream.linear.gather [hbm4b:s1+s2], $0x400, $0x38;
	[tilespmem:$0x14200] =	vst v63  }
0x237: {  	s24 =	sadd.s32 s0, s18;
	s25 =	sld [smem:$0x7FB]  }
0x238: {  	[tilespmem:s23], [sflag:$0x1] =	stream.linear.gather [hbm4b:s24+s2], $0x400, $0x38;
	[tilespmem:$0x14200] =	vst v63  }
0x239: {  	s16 =	smov.u32 s14;
	s26 =	sadd.s32 $0xF4280, s24;
	s28 =	sld [smem:$0x7FC]  }
0x23a: {  	[tilespmem:s25], [sflag:$0x1] =	stream.linear.gather [hbm4b:s26+s2], $0x400, $0x38;
	[tilespmem:$0x14200] =	vst v63  }
0x23b: {  	s17 =	sand.u32 $0x7F, s17;
	s29 =	sadd.s32 $0x1E8500, s24;
	s30 =	sld [smem:$0x7FD]  }
0x23c: {  	[tilespmem:s28], [sflag:$0x1] =	stream.linear.gather [hbm4b:s29+s2], $0x400, $0x38;
	[tilespmem:$0x14200] =	vst v63  }
0x23d: {  	v60 =	vor.u32 s17, v0;
	s31 =	sadd.s32 $0xFFFFFFF1, s16;
	s1 =	sadd.s32 $0x2DC780, s24  }
0x23e: {  	v51 =	vor.u32 s17, v1;
	v50 =	vmov s31;
	[tilespmem:s30], [sflag:$0x1] =	stream.linear.gather [hbm4b:s1+s2], $0x400, $0x38;
	[tilespmem:$0x14200] =	vst v63  }
0x23f: {  	v52 =	vshll.u32 v50, $0x3;
	_ =	swait.ge [sflag:s9], $0x10000  }
0x240: {  	v50 =	vand.u32 $0x70, v50;
	v52 =	vand.u32 $0xC00, v52;
	[sflag:s9] =	ssyncset.done $0x0  }
0x241: {  	v59 =	vand.u32 $0x7F, v49;
	v50 =	vor.u32 v50, v52;
	[sflag:s9] =	ssyncadd.s32 $0xFFFF0000  }
0x242: {  	v48 =	vbroadcast v59, $0x1;
	v52 =	vor.u32 v2, v50;
	v49 =	vld.idx.msk [tilespmem:v60+s8+$0x0], $0xffff  }
0x243: {  	v50 =	vor.u32 v3, v50;
	v51 =	vld.idx.msk [tilespmem:v51+s8+$0x0], $0xffff  }
0x244: {  	v53 =	vor.u32 v4, v48;
	s17 =	sadd.s32 $0xFFFFFFF2, s16  }
0x245: {  	v48 =	vor.u32 v5, v48;
	v54 =	vmov s17  }
0x246: {  	v47 =	vbroadcast v59, $0x2;
	v61 =	vshll.u32 v54, $0x3  }
0x247: {  	v46 =	vbroadcast v59, $0x3;
	v62 =	vand.u32 $0x71, v54;
	[tilespmem:v52+s10+$0x0] =	vst.idx.msk $0xffff, v49;
	v49 =	vand.u32 $0xC00, v61  }
0x248: {  	v45 =	vbroadcast v59, $0x4;
	v44 =	vbroadcast v59, $0x5;
	[tilespmem:v50+s10+$0x0] =	vst.idx.msk $0xffff, v51;
	v49 =	vor.u32 v62, v49  }
0x249: {  	v43 =	vbroadcast v59, $0x6;
	v42 =	vbroadcast v59, $0x7;
	v51 =	vld.idx.msk [tilespmem:v53+s8+$0x0], $0xffff;
	v50 =	vor.u32 v2, v49  }
0x24a: {  	v41 =	vbroadcast v59, $0x8;
	v40 =	vbroadcast v59, $0x9;
	v48 =	vld.idx.msk [tilespmem:v48+s8+$0x0], $0xffff;
	v49 =	vor.u32 v3, v49  }
0x24b: {  	v39 =	vbroadcast v59, $0xA;
	v38 =	vbroadcast v59, $0xB;
	v63 =	vor.u32 v6, v47;
	s18 =	sadd.s32 $0xFFFFFFF3, s16  }
0x24c: {  	v37 =	vbroadcast v59, $0xC;
	v47 =	vor.u32 v7, v47;
	v56 =	vmov s18  }
0x24d: {  	v36 =	vbroadcast v59, $0xD;
	v35 =	vbroadcast v59, $0xE;
	v57 =	vshll.u32 v56, $0x3  }
0x24e: {  	v34 =	vbroadcast v59, $0xF;
	v58 =	vand.u32 $0x72, v56;
	v59 =	vand.u32 $0xC00, v57;
	[tilespmem:v50+s10+$0x0] =	vst.idx.msk $0xffff, v51  }
0x24f: {  	[tilespmem:v49+s10+$0x0] =	vst.idx.msk $0xffff, v48;
	v48 =	vor.u32 v58, v59  }
0x250: {  	v60 =	vld.idx.msk [tilespmem:v63+s8+$0x0], $0xffff;
	v49 =	vor.u32 v2, v48  }
0x251: {  	v47 =	vld.idx.msk [tilespmem:v47+s8+$0x0], $0xffff;
	v48 =	vor.u32 v3, v48  }
0x252: {  	s19 =	sadd.s32 $0xFFFFFFF4, s16;
	v61 =	vor.u32 v8, v46  }
0x253: {  	v46 =	vor.u32 v9, v46;
	v62 =	vmov s19  }
0x254: {  	v63 =	vshll.u32 v62, $0x3  }
0x255: {  	v53 =	vand.u32 $0x73, v62;
	v54 =	vand.u32 $0xC00, v63;
	[tilespmem:v49+s10+$0x0] =	vst.idx.msk $0xffff, v60  }
0x256: {  	[tilespmem:v48+s10+$0x0] =	vst.idx.msk $0xffff, v47;
	v47 =	vor.u32 v53, v54  }
0x257: {  	v55 =	vld.idx.msk [tilespmem:v61+s8+$0x0], $0xffff;
	v48 =	vor.u32 v2, v47  }
0x258: {  	v46 =	vld.idx.msk [tilespmem:v46+s8+$0x0], $0xffff;
	v47 =	vor.u32 v3, v47  }
0x259: {  	v56 =	vor.u32 v10, v45;
	s20 =	sadd.s32 $0xFFFFFFF5, s16  }
0x25a: {  	v45 =	vor.u32 v11, v45;
	v57 =	vmov s20  }
0x25b: {  	v58 =	vshll.u32 v57, $0x3  }
0x25c: {  	v59 =	vand.u32 $0x74, v57;
	v60 =	vand.u32 $0xC00, v58;
	[tilespmem:v48+s10+$0x0] =	vst.idx.msk $0xffff, v55  }
0x25d: {  	[tilespmem:v47+s10+$0x0] =	vst.idx.msk $0xffff, v46;
	v46 =	vor.u32 v59, v60  }
0x25e: {  	v61 =	vld.idx.msk [tilespmem:v56+s8+$0x0], $0xffff;
	v47 =	vor.u32 v2, v46  }
0x25f: {  	v45 =	vld.idx.msk [tilespmem:v45+s8+$0x0], $0xffff;
	v46 =	vor.u32 v3, v46  }
0x260: {  	s21 =	sadd.s32 $0xFFFFFFF6, s16;
	v62 =	vor.u32 v12, v44  }
0x261: {  	v44 =	vor.u32 v13, v44;
	v63 =	vmov s21  }
0x262: {  	v51 =	vshll.u32 v63, $0x3  }
0x263: {  	v52 =	vand.u32 $0x75, v63;
	v53 =	vand.u32 $0xC00, v51;
	[tilespmem:v47+s10+$0x0] =	vst.idx.msk $0xffff, v61  }
0x264: {  	[tilespmem:v46+s10+$0x0] =	vst.idx.msk $0xffff, v45;
	v45 =	vor.u32 v52, v53  }
0x265: {  	v54 =	vld.idx.msk [tilespmem:v62+s8+$0x0], $0xffff;
	v46 =	vor.u32 v2, v45  }
0x266: {  	v44 =	vld.idx.msk [tilespmem:v44+s8+$0x0], $0xffff;
	v45 =	vor.u32 v3, v45  }
0x267: {  	s22 =	sadd.s32 $0xFFFFFFF7, s16;
	v55 =	vor.u32 v14, v43  }
0x268: {  	v43 =	vor.u32 v15, v43;
	v56 =	vmov s22  }
0x269: {  	v57 =	vshll.u32 v56, $0x3  }
0x26a: {  	v58 =	vand.u32 $0x76, v56;
	v59 =	vand.u32 $0xC00, v57;
	[tilespmem:v46+s10+$0x0] =	vst.idx.msk $0xffff, v54  }
0x26b: {  	[tilespmem:v45+s10+$0x0] =	vst.idx.msk $0xffff, v44;
	v44 =	vor.u32 v58, v59  }
0x26c: {  	v60 =	vld.idx.msk [tilespmem:v55+s8+$0x0], $0xffff;
	v45 =	vor.u32 v2, v44  }
0x26d: {  	v43 =	vld.idx.msk [tilespmem:v43+s8+$0x0], $0xffff;
	v44 =	vor.u32 v3, v44  }
0x26e: {  	s23 =	sadd.s32 $0xFFFFFFF8, s16;
	v61 =	vor.u32 v16, v42  }
0x26f: {  	v42 =	vor.u32 v17, v42;
	v62 =	vmov s23  }
0x270: {  	v63 =	vshll.u32 v62, $0x3  }
0x271: {  	v49 =	vand.u32 $0x77, v62;
	v50 =	vand.u32 $0xC00, v63;
	[tilespmem:v45+s10+$0x0] =	vst.idx.msk $0xffff, v60  }
0x272: {  	[tilespmem:v44+s10+$0x0] =	vst.idx.msk $0xffff, v43;
	v43 =	vor.u32 v49, v50  }
0x273: {  	v51 =	vld.idx.msk [tilespmem:v61+s8+$0x0], $0xffff;
	v44 =	vor.u32 v2, v43  }
0x274: {  	v42 =	vld.idx.msk [tilespmem:v42+s8+$0x0], $0xffff;
	v43 =	vor.u32 v3, v43  }
0x275: {  	s24 =	sadd.s32 $0xFFFFFFF9, s16;
	v52 =	vor.u32 v18, v41  }
0x276: {  	v41 =	vor.u32 v19, v41;
	v53 =	vmov s24  }
0x277: {  	v54 =	vshll.u32 v53, $0x3  }
0x278: {  	v56 =	vand.u32 $0xC00, v54;
	v55 =	vand.u32 $0x78, v53;
	[tilespmem:v44+s10+$0x0] =	vst.idx.msk $0xffff, v51  }
0x279: {  	[tilespmem:v43+s10+$0x0] =	vst.idx.msk $0xffff, v42;
	v42 =	vor.u32 v55, v56  }
0x27a: {  	v57 =	vld.idx.msk [tilespmem:v52+s8+$0x0], $0xffff;
	v43 =	vor.u32 v2, v42  }
0x27b: {  	v41 =	vld.idx.msk [tilespmem:v41+s8+$0x0], $0xffff;
	v42 =	vor.u32 v3, v42  }
0x27c: {  	s25 =	sadd.s32 $0xFFFFFFFA, s16;
	v58 =	vor.u32 v20, v40  }
0x27d: {  	v40 =	vor.u32 v21, v40;
	v59 =	vmov s25  }
0x27e: {  	v60 =	vshll.u32 v59, $0x3  }
0x27f: {  	v62 =	vand.u32 $0xC00, v60;
	v61 =	vand.u32 $0x79, v59;
	[tilespmem:v43+s10+$0x0] =	vst.idx.msk $0xffff, v57  }
0x280: {  	[tilespmem:v42+s10+$0x0] =	vst.idx.msk $0xffff, v41;
	v41 =	vor.u32 v61, v62  }
0x281: {  	v63 =	vld.idx.msk [tilespmem:v58+s8+$0x0], $0xffff;
	v42 =	vor.u32 v2, v41  }
0x282: {  	v40 =	vld.idx.msk [tilespmem:v40+s8+$0x0], $0xffff;
	v41 =	vor.u32 v3, v41  }
0x283: {  	s26 =	sadd.s32 $0xFFFFFFFB, s16;
	v48 =	vor.u32 v22, v39  }
0x284: {  	v39 =	vor.u32 v23, v39;
	v49 =	vmov s26  }
0x285: {  	v50 =	vshll.u32 v49, $0x3  }
0x286: {  	v51 =	vand.u32 $0x7A, v49;
	v52 =	vand.u32 $0xC00, v50;
	[tilespmem:v42+s10+$0x0] =	vst.idx.msk $0xffff, v63  }
0x287: {  	[tilespmem:v41+s10+$0x0] =	vst.idx.msk $0xffff, v40;
	v40 =	vor.u32 v51, v52  }
0x288: {  	v53 =	vld.idx.msk [tilespmem:v48+s8+$0x0], $0xffff;
	v41 =	vor.u32 v2, v40  }
0x289: {  	v39 =	vld.idx.msk [tilespmem:v39+s8+$0x0], $0xffff;
	v40 =	vor.u32 v3, v40  }
0x28a: {  	s28 =	sadd.s32 $0xFFFFFFFC, s16;
	v54 =	vor.u32 v24, v38  }
0x28b: {  	v38 =	vor.u32 v25, v38;
	v55 =	vmov s28  }
0x28c: {  	v56 =	vshll.u32 v55, $0x3  }
0x28d: {  	v57 =	vand.u32 $0x7B, v55;
	v58 =	vand.u32 $0xC00, v56;
	[tilespmem:v41+s10+$0x0] =	vst.idx.msk $0xffff, v53  }
0x28e: {  	[tilespmem:v40+s10+$0x0] =	vst.idx.msk $0xffff, v39;
	v39 =	vor.u32 v57, v58  }
0x28f: {  	v59 =	vld.idx.msk [tilespmem:v54+s8+$0x0], $0xffff;
	v40 =	vor.u32 v2, v39  }
0x290: {  	v38 =	vld.idx.msk [tilespmem:v38+s8+$0x0], $0xffff;
	v39 =	vor.u32 v3, v39  }
0x291: {  	s29 =	sadd.s32 $0xFFFFFFFD, s16;
	v60 =	vor.u32 v26, v37  }
0x292: {  	v37 =	vor.u32 v27, v37;
	v61 =	vmov s29  }
0x293: {  	v62 =	vshll.u32 v61, $0x3  }
0x294: {  	v44 =	vand.u32 $0xC00, v62;
	v63 =	vand.u32 $0x7C, v61;
	[tilespmem:v40+s10+$0x0] =	vst.idx.msk $0xffff, v59  }
0x295: {  	[tilespmem:v39+s10+$0x0] =	vst.idx.msk $0xffff, v38;
	v38 =	vor.u32 v63, v44  }
0x296: {  	v45 =	vld.idx.msk [tilespmem:v60+s8+$0x0], $0xffff;
	v39 =	vor.u32 v2, v38  }
0x297: {  	v37 =	vld.idx.msk [tilespmem:v37+s8+$0x0], $0xffff;
	v38 =	vor.u32 v3, v38  }
0x298: {  	s30 =	sadd.s32 $0xFFFFFFFE, s16;
	v46 =	vor.u32 v28, v36  }
0x299: {  	v47 =	vmov s30;
	v36 =	vor.u32 v29, v36  }
0x29a: {  	v48 =	vshll.u32 v47, $0x3  }
0x29b: {  	v49 =	vand.u32 $0x7D, v47;
	v50 =	vand.u32 $0xC00, v48;
	[tilespmem:v39+s10+$0x0] =	vst.idx.msk $0xffff, v45  }
0x29c: {  	[tilespmem:v38+s10+$0x0] =	vst.idx.msk $0xffff, v37;
	v37 =	vor.u32 v49, v50  }
0x29d: {  	v51 =	vld.idx.msk [tilespmem:v46+s8+$0x0], $0xffff;
	v38 =	vor.u32 v2, v37  }
0x29e: {  	v36 =	vld.idx.msk [tilespmem:v36+s8+$0x0], $0xffff;
	v37 =	vor.u32 v3, v37  }
0x29f: {  	s31 =	sadd.s32 $0xFFFFFFFF, s16;
	v52 =	vor.u32 v30, v35  }
0x2a0: {  	v35 =	vor.u32 v31, v35;
	v53 =	vmov s31  }
0x2a1: {  	v54 =	vshll.u32 v53, $0x3  }
0x2a2: {  	v55 =	vand.u32 $0x7E, v53;
	v56 =	vand.u32 $0xC00, v54;
	[tilespmem:v38+s10+$0x0] =	vst.idx.msk $0xffff, v51  }
0x2a3: {  	[tilespmem:v37+s10+$0x0] =	vst.idx.msk $0xffff, v36;
	v36 =	vor.u32 v55, v56  }
0x2a4: {  	v57 =	vld.idx.msk [tilespmem:v52+s8+$0x0], $0xffff;
	v37 =	vor.u32 v2, v36  }
0x2a5: {  	v35 =	vld.idx.msk [tilespmem:v35+s8+$0x0], $0xffff;
	v36 =	vor.u32 v3, v36  }
0x2a6: {  	v58 =	vor.u32 v32, v34  }
0x2a7: {  	v59 =	vmov s16  }
0x2a8: {  	v60 =	vshll.u32 v59, $0x3  }
0x2a9: {  	v61 =	vand.u32 $0x7F, v59;
	v62 =	vand.u32 $0xC00, v60;
	[tilespmem:v37+s10+$0x0] =	vst.idx.msk $0xffff, v57  }
0x2aa: {  	[tilespmem:v36+s10+$0x0] =	vst.idx.msk $0xffff, v35;
	v35 =	vor.u32 v61, v62  }
0x2ab: {  	p0 =	sne.s32 s14, $0x1FF;
	v34 =	vor.u32 v33, v34;
	v63 =	vld.idx.msk [tilespmem:v58+s8+$0x0], $0xffff;
	v36 =	vor.u32 v2, v35  }
.Ltmp0:
0x2ac: {  	_ = 	snop;
	(pc) =	sbr.rel @p0 .LBB2_2-.Ltmp0, $2  }
0x2ad: {  	_ =	sdelay $0x2  }
0x2ae: {  	s14 =	sadd.s32 $0x10, s14;
	v34 =	vld.idx.msk [tilespmem:v34+s8+$0x0], $0xffff;
	v35 =	vor.u32 v3, v35;
	[tilespmem:v36+s10+$0x0] =	vst.idx.msk $0xffff, v63  }
0x2af: {  	_ =	sdelay $0x1  }
0x2b0: {  	s13 =	sadd.s32 $0x1, s13  }
0x2b1: {  	p0 =	sne.s32 s13, s6  }
.Ltmp1:
0x2b2: {  	[tilespmem:v35+s10+$0x0] =	vst.idx.msk $0xffff, v34;
	(pc) =	sbr.rel @p0 .LBB2_1-.Ltmp1, $4  }
0x2b3: {  	[hbm4b:s5+s11] =	stream.strided.scatter [tilespmem:s10], [sflag:$0x2], $0x4000, s12, s11, $0x38;
	[tilespmem:$0x14200] =	vst v63  }
0x2b4: {  	_ =	swait.ge [sflag:s7], $0x4000  }
0x2b5: {  	[sflag:s7] =	ssyncset.done $0x0  }
0x2b6: {  	[sflag:s7] =	ssyncadd.s32 $0xFFFFC000  }
0x2b7: {  	_ =	sfence.sel $0x180000  }
0x2b8: {  	[bflag:$0x0] =	sbarrier.arrive $0xFFFF  }
0x2b9: {  	_ =	strace $0x90000047  }
0x2ba: {  	[bflag:$0x2] =	sbarrier.arrive $0xFFFF  }
0x2bb: {  	p0 =	sne.s32 s3, $0x0;
	s0 =	rddreg [dreg:$0x3]  }
0x2bc: {  	s0 =	sadd.s32 @!p0 $0x100000, s0  }
0x2bd: {  	[sflag:s0] =	ssyncadd.tile.s32 @!p0 $0x1;
	_ =	shalt  }
.Lfunc_end2:
_tile_overlayer_lowered:
.L_overlay_start_2:
0x2be: {  	(tag) =	ssettag $0x2  }
0x2bf: {  	s0 =	rddreg [dreg:$0x0];
	s2 =	stileid.u32  }
0x2c0: {  	s1 =	rddreg [dreg:$0x1];
	p0 =	sne.s32 s2, $0x0  }
0x2c1: {  	s3 =	rddreg [dreg:$0x2];
	[bflag:$0x3] =	sbarrier.arrive $0xFFFF;
	s2 =	simm.s32 @!p0 $0x1C02  }
0x2c2: {  	[timem:s3], [sflag:s2] =	dma.local @!p0 [hbm:s0], s1  }
0x2c3: {  	s0 =	simm.s32 @!p0 $0x2  }
0x2c4: {  	_ =	swait.ge @!p0 [sflag:s0], s1  }
0x2c5: {  	s1 =	ssub.s32 @!p0 $0x0, s1;
	[sflag:s0] =	ssyncset.done @!p0 $0x0  }
0x2c6: {  	[sflag:s0] =	ssyncadd.s32 @!p0 s1  }
0x2c7: {  	[bflag:$0x3] =	sbarrier.arrive $0xFFFF  }
0x2c8: {  	_ =	shalt  }

</sc_bundles>
